<compile_context>
chip_gen: v7x
topology: tpu7x:2x2x1
jax: 0.10.2.dev20260603
libtpu: 0.0.44.dev20260713+nightly
codegen_flags: <defaults>
</compile_context>

<pallas_src>
import functools

import jax
import jax.numpy as jnp
from jax import lax
from jax.experimental import pallas as pl
from jax.experimental.pallas import tpu as pltpu
from jax.experimental.pallas import tpu_sc as plsc

D_MODEL = 64
LANE = 128
TPAD = 129
RING = 7
WIN = 5


def _embed_sc(xt, table, n_pos, n_chunk):
    info = plsc.get_sparse_core_info()
    nc, ns = info.num_cores, info.num_subcores
    nw = nc * ns
    n_units = n_pos * n_chunk
    units_per_w = n_units // nw

    mesh = plsc.VectorSubcoreMesh(core_axis_name="c", subcore_axis_name="s")

    @functools.partial(
        pl.kernel,
        mesh=mesh,
        out_type=jax.ShapeDtypeStruct(
            (n_pos, 8, n_chunk, 8, LANE), jnp.float32
        ),
        scratch_types=[
            pltpu.VMEM((RING, LANE), jnp.int32),
            pltpu.VMEM((RING, LANE, D_MODEL), jnp.float32),
            pltpu.VMEM((RING, 8, 8, TPAD), jnp.float32),
            pltpu.SemaphoreType.DMA((RING,)),
            pltpu.SemaphoreType.DMA((RING,)),
            pltpu.SemaphoreType.DMA((RING,)),
        ],
        compiler_params=pltpu.CompilerParams(
            use_tc_tiling_on_sc=False, needs_layout_passes=False
        ),
    )
    def k(x_hbm, table_hbm, out_hbm, idx_v, garr, tbuf, isem, gsem, osem):
        wid = lax.axis_index("s") * nc + lax.axis_index("c")
        wbase = wid * units_per_w

        def fire_idx(g, slot):
            pltpu.async_copy(
                x_hbm.at[g // n_chunk, g % n_chunk], idx_v.at[slot],
                isem.at[slot],
            )

        def wait_idx(slot):
            pltpu.make_async_copy(
                x_hbm.at[0, 0], idx_v.at[0], isem.at[slot]
            ).wait()

        def fire_gather(slot):
            pltpu.async_copy(
                table_hbm.at[idx_v.at[slot]], garr.at[slot], gsem.at[slot]
            )

        def wait_gather(slot):
            pltpu.make_async_copy(
                table_hbm.at[idx_v.at[0]], garr.at[0], gsem.at[slot]
            ).wait()

        def fire_store(g, slot):
            pltpu.async_copy(
                tbuf.at[slot, :, :, pl.ds(0, LANE)],
                out_hbm.at[g // n_chunk, :, g % n_chunk],
                osem.at[slot],
            )

        def drain_store(slot):
            pltpu.make_async_copy(
                tbuf.at[0, :, :, pl.ds(0, LANE)],
                out_hbm.at[0, :, 0],
                osem.at[slot],
            ).wait()

        iota16 = lax.iota(jnp.int32, 16)
        trk = [(iota16 + 16 * k) >> 3 for k in range(4)]
        rk = [(iota16 + 16 * k) & 7 for k in range(4)]

        def transpose_unit(slot):
            src = garr.at[slot]
            dst = tbuf.at[slot]

            @plsc.parallel_loop(0, LANE, 1, unroll=8)
            def _(l):
                lvec = jnp.full((16,), 0, jnp.int32) + l
                for k in range(4):
                    v = src[l, pl.ds(16 * k, 16)]
                    plsc.store_scatter(dst, [trk[k], rk[k], lvec], v)

        for j in range(RING):
            fire_idx(wbase + j, j)

        def step(u, carry):
            slot = u % RING

            @pl.when(u < units_per_w)
            def _():
                @pl.when(u >= RING)
                def _():
                    drain_store(slot)

                wait_idx(slot)
                fire_gather(slot)

            @pl.when(u >= WIN)
            def _():
                v = u - WIN
                sv = v % RING
                wait_gather(sv)
                transpose_unit(sv)
                fire_store(wbase + v, sv)

                @pl.when(v + RING < units_per_w)
                def _():
                    fire_idx(wbase + v + RING, sv)

            return carry

        lax.fori_loop(0, units_per_w + WIN, step, 0)

        for v in range(units_per_w - RING, units_per_w):
            drain_store(v % RING)

    return k(xt, table)


def kernel(x, table):
    n_s, n_pos = x.shape
    n_chunk = n_s // LANE
    xt = (
        jnp.swapaxes(x.astype(jnp.int32), 0, 1).reshape(n_pos, n_chunk, LANE)
        * 2
    )
    t2 = jnp.pad(table, ((0, 0), (0, D_MODEL))).reshape(-1, D_MODEL)
    o = _embed_sc(xt, t2, n_pos, n_chunk)
    ot = o.transpose(2, 4, 0, 1, 3)
    return ot.reshape(n_s, n_pos, D_MODEL)

# --- scband reference (transcript-rebuilt; emitter-appended) ---
"""Pipeline reference for scband-word-embedding-8220567404868 (READ-ONLY COPY).

The authoritative reference and input builder live on the scoring server;
editing this copy changes nothing except your own understanding.
"""

import jax, jax.numpy as jnp
import numpy as np

VOCAB = 1000000
D_MODEL = 64

def setup_inputs(seed: int = 0) -> dict:
    key = jax.random.key(seed)
    k1, k2 = jax.random.split(key)
    x = jax.random.randint(k1, (4096, 200), 0, VOCAB, dtype=jnp.int64) if jax.config.jax_enable_x64 else jax.random.randint(k1, (4096, 200), 0, VOCAB, dtype=jnp.int32)
    # embedding table (learned parameter), matches nn.Embedding(vocab_size, d_model)
    table = jax.random.normal(k2, (VOCAB, D_MODEL), dtype=jnp.float32)
    return {"x": x, "table": table}

def reference(x, table):
    # nn.Embedding forward: gather rows of the table by index
    return jnp.take(table, x, axis=0)

if __name__ == "__main__":
    import jax
    _d = setup_inputs()
    print(jax.jit(kernel)(*tuple(_d.values())))

</pallas_src>

<mosaic_0001>
#map = affine_map<(d0, d1) -> (0, 0, 0)>
#map1 = affine_map<(d0, d1) -> (0, 0)>
#map2 = affine_map<(d0, d1) -> (0, 0, 0, 0, 0)>
module attributes {stable_mosaic.version = 14 : i64} {
  func.func @k(%arg0: i32, %arg1: i32, %arg2: memref<200x32x128xi32, #tpu.memory_space<hbm>>, %arg3: memref<2000000x64xf32, #tpu.memory_space<hbm>>, %arg4: memref<200x8x32x8x128xf32, #tpu.memory_space<hbm>>, %arg5: memref<7x128xi32, #tpu.memory_space<vmem>>, %arg6: memref<7x128x64xf32, #tpu.memory_space<vmem>>, %arg7: memref<7x8x8x129xf32, #tpu.memory_space<vmem>>, %arg8: memref<7x!tpu.dma_semaphore, #tpu.memory_space<semaphore_mem>>, %arg9: memref<7x!tpu.dma_semaphore, #tpu.memory_space<semaphore_mem>>, %arg10: memref<7x!tpu.dma_semaphore, #tpu.memory_space<semaphore_mem>>) attributes {dimension_semantics = [#tpu.dimension_semantics<core_parallel>, #tpu.dimension_semantics<subcore_parallel>], iteration_bounds = array<i64: 2, 16>, scalar_prefetch = 0 : i64, scratch_operands = 6 : i64, tpu.core_type = #tpu.core_type<sc_vector_subcore>, window_params = [{transform_indices = #map}, {transform_indices = #map1}, {transform_indices = #map2}]} {
    %mul3A = arith.constant 2 : i32
    %mul3A_0 = arith.muli %arg1, %mul3A : i32
    %add3A = arith.addi %mul3A_0, %arg0 : i32
    %mul3A_1 = arith.constant 200 : i32
    %mul3A_2 = arith.muli %add3A, %mul3A_1 : i32
    %iota3A = tpu.iota {dimensions = array<i32: 0>} : vector<16xi32>
    %add3A_3 = arith.constant 0 : i32
    %add3A_4 = vector.broadcast %add3A_3 : i32 to vector<16xi32>
    %add3A_5 = arith.addi %iota3A, %add3A_4 : vector<16xi32>
    %shift_right_arithmetic3A = arith.constant 3 : i32
    %shift_right_arithmetic3A_6 = vector.broadcast %shift_right_arithmetic3A : i32 to vector<16xi32>
    %shift_right_arithmetic3A_7 = arith.shrsi %add3A_5, %shift_right_arithmetic3A_6 : vector<16xi32>
    %add3A_8 = arith.constant 16 : i32
    %add3A_9 = vector.broadcast %add3A_8 : i32 to vector<16xi32>
    %add3A_10 = arith.addi %iota3A, %add3A_9 : vector<16xi32>
    %shift_right_arithmetic3A_11 = arith.constant 3 : i32
    %shift_right_arithmetic3A_12 = vector.broadcast %shift_right_arithmetic3A_11 : i32 to vector<16xi32>
    %shift_right_arithmetic3A_13 = arith.shrsi %add3A_10, %shift_right_arithmetic3A_12 : vector<16xi32>
    %add3A_14 = arith.constant 32 : i32
    %add3A_15 = vector.broadcast %add3A_14 : i32 to vector<16xi32>
    %add3A_16 = arith.addi %iota3A, %add3A_15 : vector<16xi32>
    %shift_right_arithmetic3A_17 = arith.constant 3 : i32
    %shift_right_arithmetic3A_18 = vector.broadcast %shift_right_arithmetic3A_17 : i32 to vector<16xi32>
    %shift_right_arithmetic3A_19 = arith.shrsi %add3A_16, %shift_right_arithmetic3A_18 : vector<16xi32>
    %add3A_20 = arith.constant 48 : i32
    %add3A_21 = vector.broadcast %add3A_20 : i32 to vector<16xi32>
    %add3A_22 = arith.addi %iota3A, %add3A_21 : vector<16xi32>
    %shift_right_arithmetic3A_23 = arith.constant 3 : i32
    %shift_right_arithmetic3A_24 = vector.broadcast %shift_right_arithmetic3A_23 : i32 to vector<16xi32>
    %shift_right_arithmetic3A_25 = arith.shrsi %add3A_22, %shift_right_arithmetic3A_24 : vector<16xi32>
    %add3A_26 = arith.constant 0 : i32
    %add3A_27 = vector.broadcast %add3A_26 : i32 to vector<16xi32>
    %add3A_28 = arith.addi %iota3A, %add3A_27 : vector<16xi32>
    %and3A = arith.constant 7 : i32
    %and3A_29 = vector.broadcast %and3A : i32 to vector<16xi32>
    %and3A_30 = arith.andi %add3A_28, %and3A_29 : vector<16xi32>
    %add3A_31 = arith.constant 16 : i32
    %add3A_32 = vector.broadcast %add3A_31 : i32 to vector<16xi32>
    %add3A_33 = arith.addi %iota3A, %add3A_32 : vector<16xi32>
    %and3A_34 = arith.constant 7 : i32
    %and3A_35 = vector.broadcast %and3A_34 : i32 to vector<16xi32>
    %and3A_36 = arith.andi %add3A_33, %and3A_35 : vector<16xi32>
    %add3A_37 = arith.constant 32 : i32
    %add3A_38 = vector.broadcast %add3A_37 : i32 to vector<16xi32>
    %add3A_39 = arith.addi %iota3A, %add3A_38 : vector<16xi32>
    %and3A_40 = arith.constant 7 : i32
    %and3A_41 = vector.broadcast %and3A_40 : i32 to vector<16xi32>
    %and3A_42 = arith.andi %add3A_39, %and3A_41 : vector<16xi32>
    %add3A_43 = arith.constant 48 : i32
    %add3A_44 = vector.broadcast %add3A_43 : i32 to vector<16xi32>
    %add3A_45 = arith.addi %iota3A, %add3A_44 : vector<16xi32>
    %and3A_46 = arith.constant 7 : i32
    %and3A_47 = vector.broadcast %and3A_46 : i32 to vector<16xi32>
    %and3A_48 = arith.andi %add3A_45, %and3A_47 : vector<16xi32>
    %add3A_49 = arith.constant 0 : i32
    %add3A_50 = arith.addi %mul3A_2, %add3A_49 : i32
    %jit3A = arith.constant 32 : i32
    %div3A = arith.divsi %add3A_50, %jit3A : i32
    %sign3A = arith.constant 0 : i32
    %sign3A_51 = arith.cmpi sgt, %add3A_50, %sign3A : i32
    %sign3A_52 = arith.extui %sign3A_51 : i1 to i32
    %sign3A_53 = arith.constant 0 : i32
    %sign3A_54 = arith.cmpi slt, %add3A_50, %sign3A_53 : i32
    %sign3A_55 = arith.extui %sign3A_54 : i1 to i32
    %sign3A_56 = arith.subi %sign3A_52, %sign3A_55 : i32
    %sign3A_57 = arith.constant 0 : i32
    %sign3A_58 = arith.cmpi sgt, %jit3A, %sign3A_57 : i32
    %sign3A_59 = arith.extui %sign3A_58 : i1 to i32
    %sign3A_60 = arith.constant 0 : i32
    %sign3A_61 = arith.cmpi slt, %jit3A, %sign3A_60 : i32
    %sign3A_62 = arith.extui %sign3A_61 : i1 to i32
    %sign3A_63 = arith.subi %sign3A_59, %sign3A_62 : i32
    %ne3A = arith.cmpi ne, %sign3A_56, %sign3A_63 : i32
    %rem3A = arith.remsi %add3A_50, %jit3A : i32
    %ne3A_64 = arith.constant 0 : i32
    %ne3A_65 = arith.cmpi ne, %rem3A, %ne3A_64 : i32
    %and3A_66 = arith.andi %ne3A, %ne3A_65 : i1
    %sub3A = arith.constant 1 : i32
    %sub3A_67 = arith.subi %div3A, %sub3A : i32
    %select_n3A = arith.select %and3A_66, %sub3A_67, %div3A : i32
    %jit3A_68 = arith.constant 32 : i32
    %eq3A = arith.constant 0 : i32
    %eq3A_69 = arith.cmpi eq, %jit3A_68, %eq3A : i32
    %jit3A_70 = arith.constant 1 : i32
    %select_n3A_71 = arith.select %eq3A_69, %jit3A_70, %jit3A_68 : i32
    %rem3A_72 = arith.remsi %add3A_50, %select_n3A_71 : i32
    %ne3A_73 = arith.constant 0 : i32
    %ne3A_74 = arith.cmpi ne, %rem3A_72, %ne3A_73 : i32
    %lt3A = arith.constant 0 : i32
    %lt3A_75 = arith.cmpi slt, %rem3A_72, %lt3A : i32
    %lt3A_76 = arith.constant 0 : i32
    %lt3A_77 = arith.cmpi slt, %select_n3A_71, %lt3A_76 : i32
    %ne3A_78 = arith.xori %lt3A_75, %lt3A_77 : i1
    %and3A_79 = arith.andi %ne3A_78, %ne3A_74 : i1
    %add3A_80 = arith.addi %rem3A_72, %select_n3A_71 : i32
    %select_n3A_81 = arith.select %and3A_79, %add3A_80, %rem3A_72 : i32
    %dma_start3A = arith.constant 0 : i32
    %dma_start3A_82 = arith.constant 0 : i32
    %dma_start3A_83 = arith.constant 0 : i32
    %dma_start3A_84 = tpu.memref_slice %arg5[%dma_start3A, %dma_start3A_83] : memref<7x128xi32, #tpu.memory_space<vmem>> -> memref<1x128xi32, #tpu.memory_space<vmem>>
    %dma_start3A_85 = tpu.memref_squeeze %dma_start3A_84 : memref<1x128xi32, #tpu.memory_space<vmem>> -> memref<128xi32, #tpu.memory_space<vmem>>
    %dma_start3A_86 = arith.constant 0 : i32
    %dma_start3A_87 = tpu.memref_slice %arg2[%select_n3A, %select_n3A_81, %dma_start3A_86] : memref<200x32x128xi32, #tpu.memory_space<hbm>> -> memref<1x1x128xi32, #tpu.memory_space<hbm>>
    %dma_start3A_88 = tpu.memref_squeeze %dma_start3A_87 : memref<1x1x128xi32, #tpu.memory_space<hbm>> -> memref<128xi32, #tpu.memory_space<hbm>>
    %dma_start3A_89 = tpu.memref_slice %arg8[%dma_start3A_82] : memref<7x!tpu.dma_semaphore, #tpu.memory_space<semaphore_mem>> -> memref<1x!tpu.dma_semaphore, #tpu.memory_space<semaphore_mem>>
    %dma_start3A_90 = tpu.memref_squeeze %dma_start3A_89 : memref<1x!tpu.dma_semaphore, #tpu.memory_space<semaphore_mem>> -> memref<!tpu.dma_semaphore, #tpu.memory_space<semaphore_mem>>
    %dma_start3A_91 = arith.constant 0 : i32
    %dma_start3A_92 = tpu.memref_slice %arg5[%dma_start3A, %dma_start3A_91] : memref<7x128xi32, #tpu.memory_space<vmem>> -> memref<1x128xi32, #tpu.memory_space<vmem>>
    %dma_start3A_93 = tpu.memref_squeeze %dma_start3A_92 : memref<1x128xi32, #tpu.memory_space<vmem>> -> memref<128xi32, #tpu.memory_space<vmem>>
    %dma_start3A_94 = arith.constant 0 : i32
    %dma_start3A_95 = tpu.memref_slice %arg2[%select_n3A, %select_n3A_81, %dma_start3A_94] : memref<200x32x128xi32, #tpu.memory_space<hbm>> -> memref<1x1x128xi32, #tpu.memory_space<hbm>>
    %dma_start3A_96 = tpu.memref_squeeze %dma_start3A_95 : memref<1x1x128xi32, #tpu.memory_space<hbm>> -> memref<128xi32, #tpu.memory_space<hbm>>
    tpu.enqueue_dma source(%dma_start3A_96 : memref<128xi32, #tpu.memory_space<hbm>>) target(%dma_start3A_93 : memref<128xi32, #tpu.memory_space<vmem>>) target_semaphore(%dma_start3A_90 : memref<!tpu.dma_semaphore, #tpu.memory_space<semaphore_mem>>)
    %add3A_97 = arith.constant 1 : i32
    %add3A_98 = arith.addi %mul3A_2, %add3A_97 : i32
    %jit3A_99 = arith.constant 32 : i32
    %div3A_100 = arith.divsi %add3A_98, %jit3A_99 : i32
    %sign3A_101 = arith.constant 0 : i32
    %sign3A_102 = arith.cmpi sgt, %add3A_98, %sign3A_101 : i32
    %sign3A_103 = arith.extui %sign3A_102 : i1 to i32
    %sign3A_104 = arith.constant 0 : i32
    %sign3A_105 = arith.cmpi slt, %add3A_98, %sign3A_104 : i32
    %sign3A_106 = arith.extui %sign3A_105 : i1 to i32
    %sign3A_107 = arith.subi %sign3A_103, %sign3A_106 : i32
    %sign3A_108 = arith.constant 0 : i32
    %sign3A_109 = arith.cmpi sgt, %jit3A_99, %sign3A_108 : i32
    %sign3A_110 = arith.extui %sign3A_109 : i1 to i32
    %sign3A_111 = arith.constant 0 : i32
    %sign3A_112 = arith.cmpi slt, %jit3A_99, %sign3A_111 : i32
    %sign3A_113 = arith.extui %sign3A_112 : i1 to i32
    %sign3A_114 = arith.subi %sign3A_110, %sign3A_113 : i32
    %ne3A_115 = arith.cmpi ne, %sign3A_107, %sign3A_114 : i32
    %rem3A_116 = arith.remsi %add3A_98, %jit3A_99 : i32
    %ne3A_117 = arith.constant 0 : i32
    %ne3A_118 = arith.cmpi ne, %rem3A_116, %ne3A_117 : i32
    %and3A_119 = arith.andi %ne3A_115, %ne3A_118 : i1
    %sub3A_120 = arith.constant 1 : i32
    %sub3A_121 = arith.subi %div3A_100, %sub3A_120 : i32
    %select_n3A_122 = arith.select %and3A_119, %sub3A_121, %div3A_100 : i32
    %jit3A_123 = arith.constant 32 : i32
    %eq3A_124 = arith.constant 0 : i32
    %eq3A_125 = arith.cmpi eq, %jit3A_123, %eq3A_124 : i32
    %jit3A_126 = arith.constant 1 : i32
    %select_n3A_127 = arith.select %eq3A_125, %jit3A_126, %jit3A_123 : i32
    %rem3A_128 = arith.remsi %add3A_98, %select_n3A_127 : i32
    %ne3A_129 = arith.constant 0 : i32
    %ne3A_130 = arith.cmpi ne, %rem3A_128, %ne3A_129 : i32
    %lt3A_131 = arith.constant 0 : i32
    %lt3A_132 = arith.cmpi slt, %rem3A_128, %lt3A_131 : i32
    %lt3A_133 = arith.constant 0 : i32
    %lt3A_134 = arith.cmpi slt, %select_n3A_127, %lt3A_133 : i32
    %ne3A_135 = arith.xori %lt3A_132, %lt3A_134 : i1
    %and3A_136 = arith.andi %ne3A_135, %ne3A_130 : i1
    %add3A_137 = arith.addi %rem3A_128, %select_n3A_127 : i32
    %select_n3A_138 = arith.select %and3A_136, %add3A_137, %rem3A_128 : i32
    %dma_start3A_139 = arith.constant 1 : i32
    %dma_start3A_140 = arith.constant 1 : i32
    %dma_start3A_141 = arith.constant 0 : i32
    %dma_start3A_142 = tpu.memref_slice %arg5[%dma_start3A_139, %dma_start3A_141] : memref<7x128xi32, #tpu.memory_space<vmem>> -> memref<1x128xi32, #tpu.memory_space<vmem>>
    %dma_start3A_143 = tpu.memref_squeeze %dma_start3A_142 : memref<1x128xi32, #tpu.memory_space<vmem>> -> memref<128xi32, #tpu.memory_space<vmem>>
    %dma_start3A_144 = arith.constant 0 : i32
    %dma_start3A_145 = tpu.memref_slice %arg2[%select_n3A_122, %select_n3A_138, %dma_start3A_144] : memref<200x32x128xi32, #tpu.memory_space<hbm>> -> memref<1x1x128xi32, #tpu.memory_space<hbm>>
    %dma_start3A_146 = tpu.memref_squeeze %dma_start3A_145 : memref<1x1x128xi32, #tpu.memory_space<hbm>> -> memref<128xi32, #tpu.memory_space<hbm>>
    %dma_start3A_147 = tpu.memref_slice %arg8[%dma_start3A_140] : memref<7x!tpu.dma_semaphore, #tpu.memory_space<semaphore_mem>> -> memref<1x!tpu.dma_semaphore, #tpu.memory_space<semaphore_mem>>
    %dma_start3A_148 = tpu.memref_squeeze %dma_start3A_147 : memref<1x!tpu.dma_semaphore, #tpu.memory_space<semaphore_mem>> -> memref<!tpu.dma_semaphore, #tpu.memory_space<semaphore_mem>>
    %dma_start3A_149 = arith.constant 0 : i32
    %dma_start3A_150 = tpu.memref_slice %arg5[%dma_start3A_139, %dma_start3A_149] : memref<7x128xi32, #tpu.memory_space<vmem>> -> memref<1x128xi32, #tpu.memory_space<vmem>>
    %dma_start3A_151 = tpu.memref_squeeze %dma_start3A_150 : memref<1x128xi32, #tpu.memory_space<vmem>> -> memref<128xi32, #tpu.memory_space<vmem>>
    %dma_start3A_152 = arith.constant 0 : i32
    %dma_start3A_153 = tpu.memref_slice %arg2[%select_n3A_122, %select_n3A_138, %dma_start3A_152] : memref<200x32x128xi32, #tpu.memory_space<hbm>> -> memref<1x1x128xi32, #tpu.memory_space<hbm>>
    %dma_start3A_154 = tpu.memref_squeeze %dma_start3A_153 : memref<1x1x128xi32, #tpu.memory_space<hbm>> -> memref<128xi32, #tpu.memory_space<hbm>>
    tpu.enqueue_dma source(%dma_start3A_154 : memref<128xi32, #tpu.memory_space<hbm>>) target(%dma_start3A_151 : memref<128xi32, #tpu.memory_space<vmem>>) target_semaphore(%dma_start3A_148 : memref<!tpu.dma_semaphore, #tpu.memory_space<semaphore_mem>>)
    %add3A_155 = arith.constant 2 : i32
    %add3A_156 = arith.addi %mul3A_2, %add3A_155 : i32
    %jit3A_157 = arith.constant 32 : i32
    %div3A_158 = arith.divsi %add3A_156, %jit3A_157 : i32
    %sign3A_159 = arith.constant 0 : i32
    %sign3A_160 = arith.cmpi sgt, %add3A_156, %sign3A_159 : i32
    %sign3A_161 = arith.extui %sign3A_160 : i1 to i32
    %sign3A_162 = arith.constant 0 : i32
    %sign3A_163 = arith.cmpi slt, %add3A_156, %sign3A_162 : i32
    %sign3A_164 = arith.extui %sign3A_163 : i1 to i32
    %sign3A_165 = arith.subi %sign3A_161, %sign3A_164 : i32
    %sign3A_166 = arith.constant 0 : i32
    %sign3A_167 = arith.cmpi sgt, %jit3A_157, %sign3A_166 : i32
    %sign3A_168 = arith.extui %sign3A_167 : i1 to i32
    %sign3A_169 = arith.constant 0 : i32
    %sign3A_170 = arith.cmpi slt, %jit3A_157, %sign3A_169 : i32
    %sign3A_171 = arith.extui %sign3A_170 : i1 to i32
    %sign3A_172 = arith.subi %sign3A_168, %sign3A_171 : i32
    %ne3A_173 = arith.cmpi ne, %sign3A_165, %sign3A_172 : i32
    %rem3A_174 = arith.remsi %add3A_156, %jit3A_157 : i32
    %ne3A_175 = arith.constant 0 : i32
    %ne3A_176 = arith.cmpi ne, %rem3A_174, %ne3A_175 : i32
    %and3A_177 = arith.andi %ne3A_173, %ne3A_176 : i1
    %sub3A_178 = arith.constant 1 : i32
    %sub3A_179 = arith.subi %div3A_158, %sub3A_178 : i32
    %select_n3A_180 = arith.select %and3A_177, %sub3A_179, %div3A_158 : i32
    %jit3A_181 = arith.constant 32 : i32
    %eq3A_182 = arith.constant 0 : i32
    %eq3A_183 = arith.cmpi eq, %jit3A_181, %eq3A_182 : i32
    %jit3A_184 = arith.constant 1 : i32
    %select_n3A_185 = arith.select %eq3A_183, %jit3A_184, %jit3A_181 : i32
    %rem3A_186 = arith.remsi %add3A_156, %select_n3A_185 : i32
    %ne3A_187 = arith.constant 0 : i32
    %ne3A_188 = arith.cmpi ne, %rem3A_186, %ne3A_187 : i32
    %lt3A_189 = arith.constant 0 : i32
    %lt3A_190 = arith.cmpi slt, %rem3A_186, %lt3A_189 : i32
    %lt3A_191 = arith.constant 0 : i32
    %lt3A_192 = arith.cmpi slt, %select_n3A_185, %lt3A_191 : i32
    %ne3A_193 = arith.xori %lt3A_190, %lt3A_192 : i1
    %and3A_194 = arith.andi %ne3A_193, %ne3A_188 : i1
    %add3A_195 = arith.addi %rem3A_186, %select_n3A_185 : i32
    %select_n3A_196 = arith.select %and3A_194, %add3A_195, %rem3A_186 : i32
    %dma_start3A_197 = arith.constant 2 : i32
    %dma_start3A_198 = arith.constant 2 : i32
    %dma_start3A_199 = arith.constant 0 : i32
    %dma_start3A_200 = tpu.memref_slice %arg5[%dma_start3A_197, %dma_start3A_199] : memref<7x128xi32, #tpu.memory_space<vmem>> -> memref<1x128xi32, #tpu.memory_space<vmem>>
    %dma_start3A_201 = tpu.memref_squeeze %dma_start3A_200 : memref<1x128xi32, #tpu.memory_space<vmem>> -> memref<128xi32, #tpu.memory_space<vmem>>
    %dma_start3A_202 = arith.constant 0 : i32
    %dma_start3A_203 = tpu.memref_slice %arg2[%select_n3A_180, %select_n3A_196, %dma_start3A_202] : memref<200x32x128xi32, #tpu.memory_space<hbm>> -> memref<1x1x128xi32, #tpu.memory_space<hbm>>
    %dma_start3A_204 = tpu.memref_squeeze %dma_start3A_203 : memref<1x1x128xi32, #tpu.memory_space<hbm>> -> memref<128xi32, #tpu.memory_space<hbm>>
    %dma_start3A_205 = tpu.memref_slice %arg8[%dma_start3A_198] : memref<7x!tpu.dma_semaphore, #tpu.memory_space<semaphore_mem>> -> memref<1x!tpu.dma_semaphore, #tpu.memory_space<semaphore_mem>>
    %dma_start3A_206 = tpu.memref_squeeze %dma_start3A_205 : memref<1x!tpu.dma_semaphore, #tpu.memory_space<semaphore_mem>> -> memref<!tpu.dma_semaphore, #tpu.memory_space<semaphore_mem>>
    %dma_start3A_207 = arith.constant 0 : i32
    %dma_start3A_208 = tpu.memref_slice %arg5[%dma_start3A_197, %dma_start3A_207] : memref<7x128xi32, #tpu.memory_space<vmem>> -> memref<1x128xi32, #tpu.memory_space<vmem>>
    %dma_start3A_209 = tpu.memref_squeeze %dma_start3A_208 : memref<1x128xi32, #tpu.memory_space<vmem>> -> memref<128xi32, #tpu.memory_space<vmem>>
    %dma_start3A_210 = arith.constant 0 : i32
    %dma_start3A_211 = tpu.memref_slice %arg2[%select_n3A_180, %select_n3A_196, %dma_start3A_210] : memref<200x32x128xi32, #tpu.memory_space<hbm>> -> memref<1x1x128xi32, #tpu.memory_space<hbm>>
    %dma_start3A_212 = tpu.memref_squeeze %dma_start3A_211 : memref<1x1x128xi32, #tpu.memory_space<hbm>> -> memref<128xi32, #tpu.memory_space<hbm>>
    tpu.enqueue_dma source(%dma_start3A_212 : memref<128xi32, #tpu.memory_space<hbm>>) target(%dma_start3A_209 : memref<128xi32, #tpu.memory_space<vmem>>) target_semaphore(%dma_start3A_206 : memref<!tpu.dma_semaphore, #tpu.memory_space<semaphore_mem>>)
    %add3A_213 = arith.constant 3 : i32
    %add3A_214 = arith.addi %mul3A_2, %add3A_213 : i32
    %jit3A_215 = arith.constant 32 : i32
    %div3A_216 = arith.divsi %add3A_214, %jit3A_215 : i32
    %sign3A_217 = arith.constant 0 : i32
    %sign3A_218 = arith.cmpi sgt, %add3A_214, %sign3A_217 : i32
    %sign3A_219 = arith.extui %sign3A_218 : i1 to i32
    %sign3A_220 = arith.constant 0 : i32
    %sign3A_221 = arith.cmpi slt, %add3A_214, %sign3A_220 : i32
    %sign3A_222 = arith.extui %sign3A_221 : i1 to i32
    %sign3A_223 = arith.subi %sign3A_219, %sign3A_222 : i32
    %sign3A_224 = arith.constant 0 : i32
    %sign3A_225 = arith.cmpi sgt, %jit3A_215, %sign3A_224 : i32
    %sign3A_226 = arith.extui %sign3A_225 : i1 to i32
    %sign3A_227 = arith.constant 0 : i32
    %sign3A_228 = arith.cmpi slt, %jit3A_215, %sign3A_227 : i32
    %sign3A_229 = arith.extui %sign3A_228 : i1 to i32
    %sign3A_230 = arith.subi %sign3A_226, %sign3A_229 : i32
    %ne3A_231 = arith.cmpi ne, %sign3A_223, %sign3A_230 : i32
    %rem3A_232 = arith.remsi %add3A_214, %jit3A_215 : i32
    %ne3A_233 = arith.constant 0 : i32
    %ne3A_234 = arith.cmpi ne, %rem3A_232, %ne3A_233 : i32
    %and3A_235 = arith.andi %ne3A_231, %ne3A_234 : i1
    %sub3A_236 = arith.constant 1 : i32
    %sub3A_237 = arith.subi %div3A_216, %sub3A_236 : i32
    %select_n3A_238 = arith.select %and3A_235, %sub3A_237, %div3A_216 : i32
    %jit3A_239 = arith.constant 32 : i32
    %eq3A_240 = arith.constant 0 : i32
    %eq3A_241 = arith.cmpi eq, %jit3A_239, %eq3A_240 : i32
    %jit3A_242 = arith.constant 1 : i32
    %select_n3A_243 = arith.select %eq3A_241, %jit3A_242, %jit3A_239 : i32
    %rem3A_244 = arith.remsi %add3A_214, %select_n3A_243 : i32
    %ne3A_245 = arith.constant 0 : i32
    %ne3A_246 = arith.cmpi ne, %rem3A_244, %ne3A_245 : i32
    %lt3A_247 = arith.constant 0 : i32
    %lt3A_248 = arith.cmpi slt, %rem3A_244, %lt3A_247 : i32
    %lt3A_249 = arith.constant 0 : i32
    %lt3A_250 = arith.cmpi slt, %select_n3A_243, %lt3A_249 : i32
    %ne3A_251 = arith.xori %lt3A_248, %lt3A_250 : i1
    %and3A_252 = arith.andi %ne3A_251, %ne3A_246 : i1
    %add3A_253 = arith.addi %rem3A_244, %select_n3A_243 : i32
    %select_n3A_254 = arith.select %and3A_252, %add3A_253, %rem3A_244 : i32
    %dma_start3A_255 = arith.constant 3 : i32
    %dma_start3A_256 = arith.constant 3 : i32
    %dma_start3A_257 = arith.constant 0 : i32
    %dma_start3A_258 = tpu.memref_slice %arg5[%dma_start3A_255, %dma_start3A_257] : memref<7x128xi32, #tpu.memory_space<vmem>> -> memref<1x128xi32, #tpu.memory_space<vmem>>
    %dma_start3A_259 = tpu.memref_squeeze %dma_start3A_258 : memref<1x128xi32, #tpu.memory_space<vmem>> -> memref<128xi32, #tpu.memory_space<vmem>>
    %dma_start3A_260 = arith.constant 0 : i32
    %dma_start3A_261 = tpu.memref_slice %arg2[%select_n3A_238, %select_n3A_254, %dma_start3A_260] : memref<200x32x128xi32, #tpu.memory_space<hbm>> -> memref<1x1x128xi32, #tpu.memory_space<hbm>>
    %dma_start3A_262 = tpu.memref_squeeze %dma_start3A_261 : memref<1x1x128xi32, #tpu.memory_space<hbm>> -> memref<128xi32, #tpu.memory_space<hbm>>
    %dma_start3A_263 = tpu.memref_slice %arg8[%dma_start3A_256] : memref<7x!tpu.dma_semaphore, #tpu.memory_space<semaphore_mem>> -> memref<1x!tpu.dma_semaphore, #tpu.memory_space<semaphore_mem>>
    %dma_start3A_264 = tpu.memref_squeeze %dma_start3A_263 : memref<1x!tpu.dma_semaphore, #tpu.memory_space<semaphore_mem>> -> memref<!tpu.dma_semaphore, #tpu.memory_space<semaphore_mem>>
    %dma_start3A_265 = arith.constant 0 : i32
    %dma_start3A_266 = tpu.memref_slice %arg5[%dma_start3A_255, %dma_start3A_265] : memref<7x128xi32, #tpu.memory_space<vmem>> -> memref<1x128xi32, #tpu.memory_space<vmem>>
    %dma_start3A_267 = tpu.memref_squeeze %dma_start3A_266 : memref<1x128xi32, #tpu.memory_space<vmem>> -> memref<128xi32, #tpu.memory_space<vmem>>
    %dma_start3A_268 = arith.constant 0 : i32
    %dma_start3A_269 = tpu.memref_slice %arg2[%select_n3A_238, %select_n3A_254, %dma_start3A_268] : memref<200x32x128xi32, #tpu.memory_space<hbm>> -> memref<1x1x128xi32, #tpu.memory_space<hbm>>
    %dma_start3A_270 = tpu.memref_squeeze %dma_start3A_269 : memref<1x1x128xi32, #tpu.memory_space<hbm>> -> memref<128xi32, #tpu.memory_space<hbm>>
    tpu.enqueue_dma source(%dma_start3A_270 : memref<128xi32, #tpu.memory_space<hbm>>) target(%dma_start3A_267 : memref<128xi32, #tpu.memory_space<vmem>>) target_semaphore(%dma_start3A_264 : memref<!tpu.dma_semaphore, #tpu.memory_space<semaphore_mem>>)
    %add3A_271 = arith.constant 4 : i32
    %add3A_272 = arith.addi %mul3A_2, %add3A_271 : i32
    %jit3A_273 = arith.constant 32 : i32
    %div3A_274 = arith.divsi %add3A_272, %jit3A_273 : i32
    %sign3A_275 = arith.constant 0 : i32
    %sign3A_276 = arith.cmpi sgt, %add3A_272, %sign3A_275 : i32
    %sign3A_277 = arith.extui %sign3A_276 : i1 to i32
    %sign3A_278 = arith.constant 0 : i32
    %sign3A_279 = arith.cmpi slt, %add3A_272, %sign3A_278 : i32
    %sign3A_280 = arith.extui %sign3A_279 : i1 to i32
    %sign3A_281 = arith.subi %sign3A_277, %sign3A_280 : i32
    %sign3A_282 = arith.constant 0 : i32
    %sign3A_283 = arith.cmpi sgt, %jit3A_273, %sign3A_282 : i32
    %sign3A_284 = arith.extui %sign3A_283 : i1 to i32
    %sign3A_285 = arith.constant 0 : i32
    %sign3A_286 = arith.cmpi slt, %jit3A_273, %sign3A_285 : i32
    %sign3A_287 = arith.extui %sign3A_286 : i1 to i32
    %sign3A_288 = arith.subi %sign3A_284, %sign3A_287 : i32
    %ne3A_289 = arith.cmpi ne, %sign3A_281, %sign3A_288 : i32
    %rem3A_290 = arith.remsi %add3A_272, %jit3A_273 : i32
    %ne3A_291 = arith.constant 0 : i32
    %ne3A_292 = arith.cmpi ne, %rem3A_290, %ne3A_291 : i32
    %and3A_293 = arith.andi %ne3A_289, %ne3A_292 : i1
    %sub3A_294 = arith.constant 1 : i32
    %sub3A_295 = arith.subi %div3A_274, %sub3A_294 : i32
    %select_n3A_296 = arith.select %and3A_293, %sub3A_295, %div3A_274 : i32
    %jit3A_297 = arith.constant 32 : i32
    %eq3A_298 = arith.constant 0 : i32
    %eq3A_299 = arith.cmpi eq, %jit3A_297, %eq3A_298 : i32
    %jit3A_300 = arith.constant 1 : i32
    %select_n3A_301 = arith.select %eq3A_299, %jit3A_300, %jit3A_297 : i32
    %rem3A_302 = arith.remsi %add3A_272, %select_n3A_301 : i32
    %ne3A_303 = arith.constant 0 : i32
    %ne3A_304 = arith.cmpi ne, %rem3A_302, %ne3A_303 : i32
    %lt3A_305 = arith.constant 0 : i32
    %lt3A_306 = arith.cmpi slt, %rem3A_302, %lt3A_305 : i32
    %lt3A_307 = arith.constant 0 : i32
    %lt3A_308 = arith.cmpi slt, %select_n3A_301, %lt3A_307 : i32
    %ne3A_309 = arith.xori %lt3A_306, %lt3A_308 : i1
    %and3A_310 = arith.andi %ne3A_309, %ne3A_304 : i1
    %add3A_311 = arith.addi %rem3A_302, %select_n3A_301 : i32
    %select_n3A_312 = arith.select %and3A_310, %add3A_311, %rem3A_302 : i32
    %dma_start3A_313 = arith.constant 4 : i32
    %dma_start3A_314 = arith.constant 4 : i32
    %dma_start3A_315 = arith.constant 0 : i32
    %dma_start3A_316 = tpu.memref_slice %arg5[%dma_start3A_313, %dma_start3A_315] : memref<7x128xi32, #tpu.memory_space<vmem>> -> memref<1x128xi32, #tpu.memory_space<vmem>>
    %dma_start3A_317 = tpu.memref_squeeze %dma_start3A_316 : memref<1x128xi32, #tpu.memory_space<vmem>> -> memref<128xi32, #tpu.memory_space<vmem>>
    %dma_start3A_318 = arith.constant 0 : i32
    %dma_start3A_319 = tpu.memref_slice %arg2[%select_n3A_296, %select_n3A_312, %dma_start3A_318] : memref<200x32x128xi32, #tpu.memory_space<hbm>> -> memref<1x1x128xi32, #tpu.memory_space<hbm>>
    %dma_start3A_320 = tpu.memref_squeeze %dma_start3A_319 : memref<1x1x128xi32, #tpu.memory_space<hbm>> -> memref<128xi32, #tpu.memory_space<hbm>>
    %dma_start3A_321 = tpu.memref_slice %arg8[%dma_start3A_314] : memref<7x!tpu.dma_semaphore, #tpu.memory_space<semaphore_mem>> -> memref<1x!tpu.dma_semaphore, #tpu.memory_space<semaphore_mem>>
    %dma_start3A_322 = tpu.memref_squeeze %dma_start3A_321 : memref<1x!tpu.dma_semaphore, #tpu.memory_space<semaphore_mem>> -> memref<!tpu.dma_semaphore, #tpu.memory_space<semaphore_mem>>
    %dma_start3A_323 = arith.constant 0 : i32
    %dma_start3A_324 = tpu.memref_slice %arg5[%dma_start3A_313, %dma_start3A_323] : memref<7x128xi32, #tpu.memory_space<vmem>> -> memref<1x128xi32, #tpu.memory_space<vmem>>
    %dma_start3A_325 = tpu.memref_squeeze %dma_start3A_324 : memref<1x128xi32, #tpu.memory_space<vmem>> -> memref<128xi32, #tpu.memory_space<vmem>>
    %dma_start3A_326 = arith.constant 0 : i32
    %dma_start3A_327 = tpu.memref_slice %arg2[%select_n3A_296, %select_n3A_312, %dma_start3A_326] : memref<200x32x128xi32, #tpu.memory_space<hbm>> -> memref<1x1x128xi32, #tpu.memory_space<hbm>>
    %dma_start3A_328 = tpu.memref_squeeze %dma_start3A_327 : memref<1x1x128xi32, #tpu.memory_space<hbm>> -> memref<128xi32, #tpu.memory_space<hbm>>
    tpu.enqueue_dma source(%dma_start3A_328 : memref<128xi32, #tpu.memory_space<hbm>>) target(%dma_start3A_325 : memref<128xi32, #tpu.memory_space<vmem>>) target_semaphore(%dma_start3A_322 : memref<!tpu.dma_semaphore, #tpu.memory_space<semaphore_mem>>)
    %add3A_329 = arith.constant 5 : i32
    %add3A_330 = arith.addi %mul3A_2, %add3A_329 : i32
    %jit3A_331 = arith.constant 32 : i32
    %div3A_332 = arith.divsi %add3A_330, %jit3A_331 : i32
    %sign3A_333 = arith.constant 0 : i32
    %sign3A_334 = arith.cmpi sgt, %add3A_330, %sign3A_333 : i32
    %sign3A_335 = arith.extui %sign3A_334 : i1 to i32
    %sign3A_336 = arith.constant 0 : i32
    %sign3A_337 = arith.cmpi slt, %add3A_330, %sign3A_336 : i32
    %sign3A_338 = arith.extui %sign3A_337 : i1 to i32
    %sign3A_339 = arith.subi %sign3A_335, %sign3A_338 : i32
    %sign3A_340 = arith.constant 0 : i32
    %sign3A_341 = arith.cmpi sgt, %jit3A_331, %sign3A_340 : i32
    %sign3A_342 = arith.extui %sign3A_341 : i1 to i32
    %sign3A_343 = arith.constant 0 : i32
    %sign3A_344 = arith.cmpi slt, %jit3A_331, %sign3A_343 : i32
    %sign3A_345 = arith.extui %sign3A_344 : i1 to i32
    %sign3A_346 = arith.subi %sign3A_342, %sign3A_345 : i32
    %ne3A_347 = arith.cmpi ne, %sign3A_339, %sign3A_346 : i32
    %rem3A_348 = arith.remsi %add3A_330, %jit3A_331 : i32
    %ne3A_349 = arith.constant 0 : i32
    %ne3A_350 = arith.cmpi ne, %rem3A_348, %ne3A_349 : i32
    %and3A_351 = arith.andi %ne3A_347, %ne3A_350 : i1
    %sub3A_352 = arith.constant 1 : i32
    %sub3A_353 = arith.subi %div3A_332, %sub3A_352 : i32
    %select_n3A_354 = arith.select %and3A_351, %sub3A_353, %div3A_332 : i32
    %jit3A_355 = arith.constant 32 : i32
    %eq3A_356 = arith.constant 0 : i32
    %eq3A_357 = arith.cmpi eq, %jit3A_355, %eq3A_356 : i32
    %jit3A_358 = arith.constant 1 : i32
    %select_n3A_359 = arith.select %eq3A_357, %jit3A_358, %jit3A_355 : i32
    %rem3A_360 = arith.remsi %add3A_330, %select_n3A_359 : i32
    %ne3A_361 = arith.constant 0 : i32
    %ne3A_362 = arith.cmpi ne, %rem3A_360, %ne3A_361 : i32
    %lt3A_363 = arith.constant 0 : i32
    %lt3A_364 = arith.cmpi slt, %rem3A_360, %lt3A_363 : i32
    %lt3A_365 = arith.constant 0 : i32
    %lt3A_366 = arith.cmpi slt, %select_n3A_359, %lt3A_365 : i32
    %ne3A_367 = arith.xori %lt3A_364, %lt3A_366 : i1
    %and3A_368 = arith.andi %ne3A_367, %ne3A_362 : i1
    %add3A_369 = arith.addi %rem3A_360, %select_n3A_359 : i32
    %select_n3A_370 = arith.select %and3A_368, %add3A_369, %rem3A_360 : i32
    %dma_start3A_371 = arith.constant 5 : i32
    %dma_start3A_372 = arith.constant 5 : i32
    %dma_start3A_373 = arith.constant 0 : i32
    %dma_start3A_374 = tpu.memref_slice %arg5[%dma_start3A_371, %dma_start3A_373] : memref<7x128xi32, #tpu.memory_space<vmem>> -> memref<1x128xi32, #tpu.memory_space<vmem>>
    %dma_start3A_375 = tpu.memref_squeeze %dma_start3A_374 : memref<1x128xi32, #tpu.memory_space<vmem>> -> memref<128xi32, #tpu.memory_space<vmem>>
    %dma_start3A_376 = arith.constant 0 : i32
    %dma_start3A_377 = tpu.memref_slice %arg2[%select_n3A_354, %select_n3A_370, %dma_start3A_376] : memref<200x32x128xi32, #tpu.memory_space<hbm>> -> memref<1x1x128xi32, #tpu.memory_space<hbm>>
    %dma_start3A_378 = tpu.memref_squeeze %dma_start3A_377 : memref<1x1x128xi32, #tpu.memory_space<hbm>> -> memref<128xi32, #tpu.memory_space<hbm>>
    %dma_start3A_379 = tpu.memref_slice %arg8[%dma_start3A_372] : memref<7x!tpu.dma_semaphore, #tpu.memory_space<semaphore_mem>> -> memref<1x!tpu.dma_semaphore, #tpu.memory_space<semaphore_mem>>
    %dma_start3A_380 = tpu.memref_squeeze %dma_start3A_379 : memref<1x!tpu.dma_semaphore, #tpu.memory_space<semaphore_mem>> -> memref<!tpu.dma_semaphore, #tpu.memory_space<semaphore_mem>>
    %dma_start3A_381 = arith.constant 0 : i32
    %dma_start3A_382 = tpu.memref_slice %arg5[%dma_start3A_371, %dma_start3A_381] : memref<7x128xi32, #tpu.memory_space<vmem>> -> memref<1x128xi32, #tpu.memory_space<vmem>>
    %dma_start3A_383 = tpu.memref_squeeze %dma_start3A_382 : memref<1x128xi32, #tpu.memory_space<vmem>> -> memref<128xi32, #tpu.memory_space<vmem>>
    %dma_start3A_384 = arith.constant 0 : i32
    %dma_start3A_385 = tpu.memref_slice %arg2[%select_n3A_354, %select_n3A_370, %dma_start3A_384] : memref<200x32x128xi32, #tpu.memory_space<hbm>> -> memref<1x1x128xi32, #tpu.memory_space<hbm>>
    %dma_start3A_386 = tpu.memref_squeeze %dma_start3A_385 : memref<1x1x128xi32, #tpu.memory_space<hbm>> -> memref<128xi32, #tpu.memory_space<hbm>>
    tpu.enqueue_dma source(%dma_start3A_386 : memref<128xi32, #tpu.memory_space<hbm>>) target(%dma_start3A_383 : memref<128xi32, #tpu.memory_space<vmem>>) target_semaphore(%dma_start3A_380 : memref<!tpu.dma_semaphore, #tpu.memory_space<semaphore_mem>>)
    %add3A_387 = arith.constant 6 : i32
    %add3A_388 = arith.addi %mul3A_2, %add3A_387 : i32
    %jit3A_389 = arith.constant 32 : i32
    %div3A_390 = arith.divsi %add3A_388, %jit3A_389 : i32
    %sign3A_391 = arith.constant 0 : i32
    %sign3A_392 = arith.cmpi sgt, %add3A_388, %sign3A_391 : i32
    %sign3A_393 = arith.extui %sign3A_392 : i1 to i32
    %sign3A_394 = arith.constant 0 : i32
    %sign3A_395 = arith.cmpi slt, %add3A_388, %sign3A_394 : i32
    %sign3A_396 = arith.extui %sign3A_395 : i1 to i32
    %sign3A_397 = arith.subi %sign3A_393, %sign3A_396 : i32
    %sign3A_398 = arith.constant 0 : i32
    %sign3A_399 = arith.cmpi sgt, %jit3A_389, %sign3A_398 : i32
    %sign3A_400 = arith.extui %sign3A_399 : i1 to i32
    %sign3A_401 = arith.constant 0 : i32
    %sign3A_402 = arith.cmpi slt, %jit3A_389, %sign3A_401 : i32
    %sign3A_403 = arith.extui %sign3A_402 : i1 to i32
    %sign3A_404 = arith.subi %sign3A_400, %sign3A_403 : i32
    %ne3A_405 = arith.cmpi ne, %sign3A_397, %sign3A_404 : i32
    %rem3A_406 = arith.remsi %add3A_388, %jit3A_389 : i32
    %ne3A_407 = arith.constant 0 : i32
    %ne3A_408 = arith.cmpi ne, %rem3A_406, %ne3A_407 : i32
    %and3A_409 = arith.andi %ne3A_405, %ne3A_408 : i1
    %sub3A_410 = arith.constant 1 : i32
    %sub3A_411 = arith.subi %div3A_390, %sub3A_410 : i32
    %select_n3A_412 = arith.select %and3A_409, %sub3A_411, %div3A_390 : i32
    %jit3A_413 = arith.constant 32 : i32
    %eq3A_414 = arith.constant 0 : i32
    %eq3A_415 = arith.cmpi eq, %jit3A_413, %eq3A_414 : i32
    %jit3A_416 = arith.constant 1 : i32
    %select_n3A_417 = arith.select %eq3A_415, %jit3A_416, %jit3A_413 : i32
    %rem3A_418 = arith.remsi %add3A_388, %select_n3A_417 : i32
    %ne3A_419 = arith.constant 0 : i32
    %ne3A_420 = arith.cmpi ne, %rem3A_418, %ne3A_419 : i32
    %lt3A_421 = arith.constant 0 : i32
    %lt3A_422 = arith.cmpi slt, %rem3A_418, %lt3A_421 : i32
    %lt3A_423 = arith.constant 0 : i32
    %lt3A_424 = arith.cmpi slt, %select_n3A_417, %lt3A_423 : i32
    %ne3A_425 = arith.xori %lt3A_422, %lt3A_424 : i1
    %and3A_426 = arith.andi %ne3A_425, %ne3A_420 : i1
    %add3A_427 = arith.addi %rem3A_418, %select_n3A_417 : i32
    %select_n3A_428 = arith.select %and3A_426, %add3A_427, %rem3A_418 : i32
    %dma_start3A_429 = arith.constant 6 : i32
    %dma_start3A_430 = arith.constant 6 : i32
    %dma_start3A_431 = arith.constant 0 : i32
    %dma_start3A_432 = tpu.memref_slice %arg5[%dma_start3A_429, %dma_start3A_431] : memref<7x128xi32, #tpu.memory_space<vmem>> -> memref<1x128xi32, #tpu.memory_space<vmem>>
    %dma_start3A_433 = tpu.memref_squeeze %dma_start3A_432 : memref<1x128xi32, #tpu.memory_space<vmem>> -> memref<128xi32, #tpu.memory_space<vmem>>
    %dma_start3A_434 = arith.constant 0 : i32
    %dma_start3A_435 = tpu.memref_slice %arg2[%select_n3A_412, %select_n3A_428, %dma_start3A_434] : memref<200x32x128xi32, #tpu.memory_space<hbm>> -> memref<1x1x128xi32, #tpu.memory_space<hbm>>
    %dma_start3A_436 = tpu.memref_squeeze %dma_start3A_435 : memref<1x1x128xi32, #tpu.memory_space<hbm>> -> memref<128xi32, #tpu.memory_space<hbm>>
    %dma_start3A_437 = tpu.memref_slice %arg8[%dma_start3A_430] : memref<7x!tpu.dma_semaphore, #tpu.memory_space<semaphore_mem>> -> memref<1x!tpu.dma_semaphore, #tpu.memory_space<semaphore_mem>>
    %dma_start3A_438 = tpu.memref_squeeze %dma_start3A_437 : memref<1x!tpu.dma_semaphore, #tpu.memory_space<semaphore_mem>> -> memref<!tpu.dma_semaphore, #tpu.memory_space<semaphore_mem>>
    %dma_start3A_439 = arith.constant 0 : i32
    %dma_start3A_440 = tpu.memref_slice %arg5[%dma_start3A_429, %dma_start3A_439] : memref<7x128xi32, #tpu.memory_space<vmem>> -> memref<1x128xi32, #tpu.memory_space<vmem>>
    %dma_start3A_441 = tpu.memref_squeeze %dma_start3A_440 : memref<1x128xi32, #tpu.memory_space<vmem>> -> memref<128xi32, #tpu.memory_space<vmem>>
    %dma_start3A_442 = arith.constant 0 : i32
    %dma_start3A_443 = tpu.memref_slice %arg2[%select_n3A_412, %select_n3A_428, %dma_start3A_442] : memref<200x32x128xi32, #tpu.memory_space<hbm>> -> memref<1x1x128xi32, #tpu.memory_space<hbm>>
    %dma_start3A_444 = tpu.memref_squeeze %dma_start3A_443 : memref<1x1x128xi32, #tpu.memory_space<hbm>> -> memref<128xi32, #tpu.memory_space<hbm>>
    tpu.enqueue_dma source(%dma_start3A_444 : memref<128xi32, #tpu.memory_space<hbm>>) target(%dma_start3A_441 : memref<128xi32, #tpu.memory_space<vmem>>) target_semaphore(%dma_start3A_438 : memref<!tpu.dma_semaphore, #tpu.memory_space<semaphore_mem>>)
    %scan3A = arith.constant 0 : i32
    %scan3A_445 = arith.constant 0 : i32
    %scan3A_446 = arith.constant 205 : i32
    %scan3A_447 = arith.addi %scan3A_445, %scan3A_446 : i32
    %scan3A_448 = arith.constant 1 : i32
    scf.for %scan3A_631 = %scan3A_445 to %scan3A_447 step %scan3A_448  : i32 {
      %jit3A_632 = arith.constant 7 : i32
      %eq3A_633 = arith.constant 0 : i32
      %eq3A_634 = arith.cmpi eq, %jit3A_632, %eq3A_633 : i32
      %jit3A_635 = arith.constant 1 : i32
      %select_n3A_636 = arith.select %eq3A_634, %jit3A_635, %jit3A_632 : i32
      %rem3A_637 = arith.remsi %scan3A_631, %select_n3A_636 : i32
      %ne3A_638 = arith.constant 0 : i32
      %ne3A_639 = arith.cmpi ne, %rem3A_637, %ne3A_638 : i32
      %lt3A_640 = arith.constant 0 : i32
      %lt3A_641 = arith.cmpi slt, %rem3A_637, %lt3A_640 : i32
      %lt3A_642 = arith.constant 0 : i32
      %lt3A_643 = arith.cmpi slt, %select_n3A_636, %lt3A_642 : i32
      %ne3A_644 = arith.xori %lt3A_641, %lt3A_643 : i1
      %and3A_645 = arith.andi %ne3A_644, %ne3A_639 : i1
      %add3A_646 = arith.addi %rem3A_637, %select_n3A_636 : i32
      %select_n3A_647 = arith.select %and3A_645, %add3A_646, %rem3A_637 : i32
      %lt3A_648 = arith.constant 200 : i32
      %lt3A_649 = arith.cmpi slt, %scan3A_631, %lt3A_648 : i32
      %convert_element_type3A = arith.extui %lt3A_649 : i1 to i32
      %cond3A = arith.constant 0 : i32
      %cond3A_650 = arith.cmpi ne, %convert_element_type3A, %cond3A : i32
      scf.if %cond3A_650 {
        %ge3A_655 = arith.constant 7 : i32
        %ge3A_656 = arith.cmpi sge, %scan3A_631, %ge3A_655 : i32
        %convert_element_type3A_657 = arith.extui %ge3A_656 : i1 to i32
        %cond3A_658 = arith.constant 0 : i32
        %cond3A_659 = arith.cmpi ne, %convert_element_type3A_657, %cond3A_658 : i32
        scf.if %cond3A_659 {
          %dma_wait3A_689 = arith.constant 0 : i32
          %dma_wait3A_690 = arith.constant 0 : i32
          %dma_wait3A_691 = arith.constant 0 : i32
          %dma_wait3A_692 = arith.constant 0 : i32
          %dma_wait3A_693 = arith.constant 0 : i32
          %dma_wait3A_694 = arith.constant 0 : i32
          %dma_wait3A_695 = tpu.memref_slice %arg7[%dma_wait3A_689, %dma_wait3A_692, %dma_wait3A_693, %dma_wait3A_694] : memref<7x8x8x129xf32, #tpu.memory_space<vmem>> -> memref<1x8x8x128xf32, #tpu.memory_space<vmem>>
          %dma_wait3A_696 = tpu.memref_squeeze %dma_wait3A_695 : memref<1x8x8x128xf32, #tpu.memory_space<vmem>> -> memref<8x8x128xf32, #tpu.memory_space<vmem>>
          %dma_wait3A_697 = arith.constant 0 : i32
          %dma_wait3A_698 = arith.constant 0 : i32
          %dma_wait3A_699 = arith.constant 0 : i32
          %dma_wait3A_700 = tpu.memref_slice %arg4[%dma_wait3A_690, %dma_wait3A_697, %dma_wait3A_691, %dma_wait3A_698, %dma_wait3A_699] : memref<200x8x32x8x128xf32, #tpu.memory_space<hbm>> -> memref<1x8x1x8x128xf32, #tpu.memory_space<hbm>>
          %dma_wait3A_701 = tpu.memref_squeeze %dma_wait3A_700 : memref<1x8x1x8x128xf32, #tpu.memory_space<hbm>> -> memref<8x8x128xf32, #tpu.memory_space<hbm>>
          %dma_wait3A_702 = tpu.memref_slice %arg10[%select_n3A_647] : memref<7x!tpu.dma_semaphore, #tpu.memory_space<semaphore_mem>> -> memref<1x!tpu.dma_semaphore, #tpu.memory_space<semaphore_mem>>
          %dma_wait3A_703 = tpu.memref_squeeze %dma_wait3A_702 : memref<1x!tpu.dma_semaphore, #tpu.memory_space<semaphore_mem>> -> memref<!tpu.dma_semaphore, #tpu.memory_space<semaphore_mem>>
          %dma_wait3A_704 = arith.constant 0 : i32
          %dma_wait3A_705 = arith.constant 0 : i32
          %dma_wait3A_706 = arith.constant 0 : i32
          %dma_wait3A_707 = tpu.memref_slice %arg4[%dma_wait3A_690, %dma_wait3A_704, %dma_wait3A_691, %dma_wait3A_705, %dma_wait3A_706] : memref<200x8x32x8x128xf32, #tpu.memory_space<hbm>> -> memref<1x8x1x8x128xf32, #tpu.memory_space<hbm>>
          %dma_wait3A_708 = tpu.memref_squeeze %dma_wait3A_707 : memref<1x8x1x8x128xf32, #tpu.memory_space<hbm>> -> memref<8x8x128xf32, #tpu.memory_space<hbm>>
          %dma_wait3A_709 = arith.constant 0 : i32
          %dma_wait3A_710 = arith.constant 0 : i32
          %dma_wait3A_711 = arith.constant 0 : i32
          %dma_wait3A_712 = tpu.memref_slice %arg7[%dma_wait3A_689, %dma_wait3A_709, %dma_wait3A_710, %dma_wait3A_711] : memref<7x8x8x129xf32, #tpu.memory_space<vmem>> -> memref<1x8x8x128xf32, #tpu.memory_space<vmem>>
          %dma_wait3A_713 = tpu.memref_squeeze %dma_wait3A_712 : memref<1x8x8x128xf32, #tpu.memory_space<vmem>> -> memref<8x8x128xf32, #tpu.memory_space<vmem>>
          tpu.wait_dma2 semaphore(%dma_wait3A_703 : memref<!tpu.dma_semaphore, #tpu.memory_space<semaphore_mem>>) src(%dma_wait3A_713 : memref<8x8x128xf32, #tpu.memory_space<vmem>>) dst(%dma_wait3A_708 : memref<8x8x128xf32, #tpu.memory_space<hbm>>)
        } else {
        }
        %dma_wait3A_660 = arith.constant 0 : i32
        %dma_wait3A_661 = arith.constant 0 : i32
        %dma_wait3A_662 = arith.constant 0 : i32
        %dma_wait3A_663 = arith.constant 0 : i32
        %dma_wait3A_664 = tpu.memref_slice %arg5[%dma_wait3A_662, %dma_wait3A_663] : memref<7x128xi32, #tpu.memory_space<vmem>> -> memref<1x128xi32, #tpu.memory_space<vmem>>
        %dma_wait3A_665 = tpu.memref_squeeze %dma_wait3A_664 : memref<1x128xi32, #tpu.memory_space<vmem>> -> memref<128xi32, #tpu.memory_space<vmem>>
        %dma_wait3A_666 = arith.constant 0 : i32
        %dma_wait3A_667 = tpu.memref_slice %arg2[%dma_wait3A_660, %dma_wait3A_661, %dma_wait3A_666] : memref<200x32x128xi32, #tpu.memory_space<hbm>> -> memref<1x1x128xi32, #tpu.memory_space<hbm>>
        %dma_wait3A_668 = tpu.memref_squeeze %dma_wait3A_667 : memref<1x1x128xi32, #tpu.memory_space<hbm>> -> memref<128xi32, #tpu.memory_space<hbm>>
        %dma_wait3A_669 = tpu.memref_slice %arg8[%select_n3A_647] : memref<7x!tpu.dma_semaphore, #tpu.memory_space<semaphore_mem>> -> memref<1x!tpu.dma_semaphore, #tpu.memory_space<semaphore_mem>>
        %dma_wait3A_670 = tpu.memref_squeeze %dma_wait3A_669 : memref<1x!tpu.dma_semaphore, #tpu.memory_space<semaphore_mem>> -> memref<!tpu.dma_semaphore, #tpu.memory_space<semaphore_mem>>
        %dma_wait3A_671 = arith.constant 0 : i32
        %dma_wait3A_672 = tpu.memref_slice %arg5[%dma_wait3A_662, %dma_wait3A_671] : memref<7x128xi32, #tpu.memory_space<vmem>> -> memref<1x128xi32, #tpu.memory_space<vmem>>
        %dma_wait3A_673 = tpu.memref_squeeze %dma_wait3A_672 : memref<1x128xi32, #tpu.memory_space<vmem>> -> memref<128xi32, #tpu.memory_space<vmem>>
        %dma_wait3A_674 = arith.constant 0 : i32
        %dma_wait3A_675 = tpu.memref_slice %arg2[%dma_wait3A_660, %dma_wait3A_661, %dma_wait3A_674] : memref<200x32x128xi32, #tpu.memory_space<hbm>> -> memref<1x1x128xi32, #tpu.memory_space<hbm>>
        %dma_wait3A_676 = tpu.memref_squeeze %dma_wait3A_675 : memref<1x1x128xi32, #tpu.memory_space<hbm>> -> memref<128xi32, #tpu.memory_space<hbm>>
        tpu.wait_dma2 semaphore(%dma_wait3A_670 : memref<!tpu.dma_semaphore, #tpu.memory_space<semaphore_mem>>) src(%dma_wait3A_676 : memref<128xi32, #tpu.memory_space<hbm>>) dst(%dma_wait3A_673 : memref<128xi32, #tpu.memory_space<vmem>>)
        %dma_start3A_677 = arith.constant 0 : i32
        %dma_start3A_678 = arith.constant 0 : i32
        %dma_start3A_679 = tpu.memref_slice %arg6[%select_n3A_647, %dma_start3A_677, %dma_start3A_678] : memref<7x128x64xf32, #tpu.memory_space<vmem>> -> memref<1x128x64xf32, #tpu.memory_space<vmem>>
        %dma_start3A_680 = tpu.memref_squeeze %dma_start3A_679 : memref<1x128x64xf32, #tpu.memory_space<vmem>> -> memref<128x64xf32, #tpu.memory_space<vmem>>
        %dma_start3A_681 = arith.constant 0 : i32
        %dma_start3A_682 = tpu.memref_slice %arg5[%select_n3A_647, %dma_start3A_681] : memref<7x128xi32, #tpu.memory_space<vmem>> -> memref<1x128xi32, #tpu.memory_space<vmem>>
        %dma_start3A_683 = tpu.memref_squeeze %dma_start3A_682 : memref<1x128xi32, #tpu.memory_space<vmem>> -> memref<128xi32, #tpu.memory_space<vmem>>
        %dma_start3A_684 = arith.constant 0 : i32
        %dma_start3A_685 = arith.constant 0 : i32
        %dma_start3A_686 = tpu.memref_slice %arg3[%dma_start3A_684, %dma_start3A_685] : memref<2000000x64xf32, #tpu.memory_space<hbm>> -> memref<2000000x64xf32, #tpu.memory_space<hbm>>
        %dma_start3A_687 = tpu.memref_slice %arg9[%select_n3A_647] : memref<7x!tpu.dma_semaphore, #tpu.memory_space<semaphore_mem>> -> memref<1x!tpu.dma_semaphore, #tpu.memory_space<semaphore_mem>>
        %dma_start3A_688 = tpu.memref_squeeze %dma_start3A_687 : memref<1x!tpu.dma_semaphore, #tpu.memory_space<semaphore_mem>> -> memref<!tpu.dma_semaphore, #tpu.memory_space<semaphore_mem>>
        tpu.enqueue_indirect_dma source(%dma_start3A_686 : memref<2000000x64xf32, #tpu.memory_space<hbm>>) target(%dma_start3A_680 : memref<128x64xf32, #tpu.memory_space<vmem>>) offsets(%dma_start3A_683 : memref<128xi32, #tpu.memory_space<vmem>>) semaphore(%dma_start3A_688 : memref<!tpu.dma_semaphore, #tpu.memory_space<semaphore_mem>>)
      } else {
      }
      %ge3A = arith.constant 5 : i32
      %ge3A_651 = arith.cmpi sge, %scan3A_631, %ge3A : i32
      %convert_element_type3A_652 = arith.extui %ge3A_651 : i1 to i32
      %cond3A_653 = arith.constant 0 : i32
      %cond3A_654 = arith.cmpi ne, %convert_element_type3A_652, %cond3A_653 : i32
      scf.if %cond3A_654 {
        %sub3A_655 = arith.constant 5 : i32
        %sub3A_656 = arith.subi %scan3A_631, %sub3A_655 : i32
        %jit3A_657 = arith.constant 7 : i32
        %eq3A_658 = arith.constant 0 : i32
        %eq3A_659 = arith.cmpi eq, %jit3A_657, %eq3A_658 : i32
        %jit3A_660 = arith.constant 1 : i32
        %select_n3A_661 = arith.select %eq3A_659, %jit3A_660, %jit3A_657 : i32
        %rem3A_662 = arith.remsi %sub3A_656, %select_n3A_661 : i32
        %ne3A_663 = arith.constant 0 : i32
        %ne3A_664 = arith.cmpi ne, %rem3A_662, %ne3A_663 : i32
        %lt3A_665 = arith.constant 0 : i32
        %lt3A_666 = arith.cmpi slt, %rem3A_662, %lt3A_665 : i32
        %lt3A_667 = arith.constant 0 : i32
        %lt3A_668 = arith.cmpi slt, %select_n3A_661, %lt3A_667 : i32
        %ne3A_669 = arith.xori %lt3A_666, %lt3A_668 : i1
        %and3A_670 = arith.andi %ne3A_669, %ne3A_664 : i1
        %add3A_671 = arith.addi %rem3A_662, %select_n3A_661 : i32
        %select_n3A_672 = arith.select %and3A_670, %add3A_671, %rem3A_662 : i32
        %dma_wait3A_673 = arith.constant 0 : i32
        %dma_wait3A_674 = arith.constant 0 : i32
        %dma_wait3A_675 = arith.constant 0 : i32
        %dma_wait3A_676 = arith.constant 0 : i32
        %dma_wait3A_677 = tpu.memref_slice %arg6[%dma_wait3A_674, %dma_wait3A_675, %dma_wait3A_676] : memref<7x128x64xf32, #tpu.memory_space<vmem>> -> memref<1x128x64xf32, #tpu.memory_space<vmem>>
        %dma_wait3A_678 = tpu.memref_squeeze %dma_wait3A_677 : memref<1x128x64xf32, #tpu.memory_space<vmem>> -> memref<128x64xf32, #tpu.memory_space<vmem>>
        %dma_wait3A_679 = arith.constant 0 : i32
        %dma_wait3A_680 = tpu.memref_slice %arg5[%dma_wait3A_673, %dma_wait3A_679] : memref<7x128xi32, #tpu.memory_space<vmem>> -> memref<1x128xi32, #tpu.memory_space<vmem>>
        %dma_wait3A_681 = tpu.memref_squeeze %dma_wait3A_680 : memref<1x128xi32, #tpu.memory_space<vmem>> -> memref<128xi32, #tpu.memory_space<vmem>>
        %dma_wait3A_682 = arith.constant 0 : i32
        %dma_wait3A_683 = arith.constant 0 : i32
        %dma_wait3A_684 = tpu.memref_slice %arg3[%dma_wait3A_682, %dma_wait3A_683] : memref<2000000x64xf32, #tpu.memory_space<hbm>> -> memref<2000000x64xf32, #tpu.memory_space<hbm>>
        %dma_wait3A_685 = tpu.memref_slice %arg9[%select_n3A_672] : memref<7x!tpu.dma_semaphore, #tpu.memory_space<semaphore_mem>> -> memref<1x!tpu.dma_semaphore, #tpu.memory_space<semaphore_mem>>
        %dma_wait3A_686 = tpu.memref_squeeze %dma_wait3A_685 : memref<1x!tpu.dma_semaphore, #tpu.memory_space<semaphore_mem>> -> memref<!tpu.dma_semaphore, #tpu.memory_space<semaphore_mem>>
        tpu.wait_indirect_dma semaphore(%dma_wait3A_686 : memref<!tpu.dma_semaphore, #tpu.memory_space<semaphore_mem>>) src(%dma_wait3A_684 : memref<2000000x64xf32, #tpu.memory_space<hbm>>) dst(%dma_wait3A_678 : memref<128x64xf32, #tpu.memory_space<vmem>>)
        %parallel_loop3A = arith.constant 0 : i32
        %parallel_loop3A_687 = arith.constant 128 : i32
        %parallel_loop3A_688 = arith.constant 1 : i32
        scf.for %parallel_loop3A_759 = %parallel_loop3A to %parallel_loop3A_687 step %parallel_loop3A_688  : i32 {
          %parallel_loop3A_760 = arith.constant 0 : i32
          %parallel_loop3A_761 = vector.broadcast %parallel_loop3A_760 : i32 to vector<16xi32>
          %parallel_loop3A_762 = vector.broadcast %parallel_loop3A_759 : i32 to vector<16xi32>
          %parallel_loop3A_763 = arith.addi %parallel_loop3A_761, %parallel_loop3A_762 : vector<16xi32>
          %parallel_loop3A_764 = arith.constant 0 : i32
          %parallel_loop3A_765 = arith.constant 0 : i32
          %parallel_loop3A_766 = tpu.memref_slice %arg6[%select_n3A_672, %parallel_loop3A_764, %parallel_loop3A_765] : memref<7x128x64xf32, #tpu.memory_space<vmem>> -> memref<1x128x64xf32, #tpu.memory_space<vmem>>
          %parallel_loop3A_767 = tpu.memref_squeeze %parallel_loop3A_766 : memref<1x128x64xf32, #tpu.memory_space<vmem>> -> memref<128x64xf32, #tpu.memory_space<vmem>>
          %parallel_loop3A_768 = arith.index_cast %parallel_loop3A_759 : i32 to index
          %parallel_loop3A_769 = arith.constant 0 : index
          %parallel_loop3A_770 = tpu.vector_load %parallel_loop3A_767[%parallel_loop3A_768, %parallel_loop3A_769] {strides = array<i32>} : memref<128x64xf32, #tpu.memory_space<vmem>>, vector<16xf32>,
          %parallel_loop3A_771 = arith.constant 0 : i32
          %parallel_loop3A_772 = arith.constant 0 : i32
          %parallel_loop3A_773 = arith.constant 0 : i32
          %parallel_loop3A_774 = tpu.memref_slice %arg7[%select_n3A_672, %parallel_loop3A_771, %parallel_loop3A_772, %parallel_loop3A_773] : memref<7x8x8x129xf32, #tpu.memory_space<vmem>> -> memref<1x8x8x129xf32, #tpu.memory_space<vmem>>
          %parallel_loop3A_775 = tpu.memref_squeeze %parallel_loop3A_774 : memref<1x8x8x129xf32, #tpu.memory_space<vmem>> -> memref<8x8x129xf32, #tpu.memory_space<vmem>>
          tpu.vector_store_idx %parallel_loop3A_775[%shift_right_arithmetic3A_7, %and3A_30, %parallel_loop3A_763], %parallel_loop3A_770 : memref<8x8x129xf32, #tpu.memory_space<vmem>>[vector<16xi32>, vector<16xi32>, vector<16xi32>], vector<16xf32>,
          %parallel_loop3A_776 = arith.constant 0 : i32
          %parallel_loop3A_777 = arith.constant 0 : i32
          %parallel_loop3A_778 = tpu.memref_slice %arg6[%select_n3A_672, %parallel_loop3A_776, %parallel_loop3A_777] : memref<7x128x64xf32, #tpu.memory_space<vmem>> -> memref<1x128x64xf32, #tpu.memory_space<vmem>>
          %parallel_loop3A_779 = tpu.memref_squeeze %parallel_loop3A_778 : memref<1x128x64xf32, #tpu.memory_space<vmem>> -> memref<128x64xf32, #tpu.memory_space<vmem>>
          %parallel_loop3A_780 = arith.index_cast %parallel_loop3A_759 : i32 to index
          %parallel_loop3A_781 = arith.constant 16 : index
          %parallel_loop3A_782 = tpu.vector_load %parallel_loop3A_779[%parallel_loop3A_780, %parallel_loop3A_781] {strides = array<i32>} : memref<128x64xf32, #tpu.memory_space<vmem>>, vector<16xf32>,
          %parallel_loop3A_783 = arith.constant 0 : i32
          %parallel_loop3A_784 = arith.constant 0 : i32
          %parallel_loop3A_785 = arith.constant 0 : i32
          %parallel_loop3A_786 = tpu.memref_slice %arg7[%select_n3A_672, %parallel_loop3A_783, %parallel_loop3A_784, %parallel_loop3A_785] : memref<7x8x8x129xf32, #tpu.memory_space<vmem>> -> memref<1x8x8x129xf32, #tpu.memory_space<vmem>>
          %parallel_loop3A_787 = tpu.memref_squeeze %parallel_loop3A_786 : memref<1x8x8x129xf32, #tpu.memory_space<vmem>> -> memref<8x8x129xf32, #tpu.memory_space<vmem>>
          tpu.vector_store_idx %parallel_loop3A_787[%shift_right_arithmetic3A_13, %and3A_36, %parallel_loop3A_763], %parallel_loop3A_782 : memref<8x8x129xf32, #tpu.memory_space<vmem>>[vector<16xi32>, vector<16xi32>, vector<16xi32>], vector<16xf32>,
          %parallel_loop3A_788 = arith.constant 0 : i32
          %parallel_loop3A_789 = arith.constant 0 : i32
          %parallel_loop3A_790 = tpu.memref_slice %arg6[%select_n3A_672, %parallel_loop3A_788, %parallel_loop3A_789] : memref<7x128x64xf32, #tpu.memory_space<vmem>> -> memref<1x128x64xf32, #tpu.memory_space<vmem>>
          %parallel_loop3A_791 = tpu.memref_squeeze %parallel_loop3A_790 : memref<1x128x64xf32, #tpu.memory_space<vmem>> -> memref<128x64xf32, #tpu.memory_space<vmem>>
          %parallel_loop3A_792 = arith.index_cast %parallel_loop3A_759 : i32 to index
          %parallel_loop3A_793 = arith.constant 32 : index
          %parallel_loop3A_794 = tpu.vector_load %parallel_loop3A_791[%parallel_loop3A_792, %parallel_loop3A_793] {strides = array<i32>} : memref<128x64xf32, #tpu.memory_space<vmem>>, vector<16xf32>,
          %parallel_loop3A_795 = arith.constant 0 : i32
          %parallel_loop3A_796 = arith.constant 0 : i32
          %parallel_loop3A_797 = arith.constant 0 : i32
          %parallel_loop3A_798 = tpu.memref_slice %arg7[%select_n3A_672, %parallel_loop3A_795, %parallel_loop3A_796, %parallel_loop3A_797] : memref<7x8x8x129xf32, #tpu.memory_space<vmem>> -> memref<1x8x8x129xf32, #tpu.memory_space<vmem>>
          %parallel_loop3A_799 = tpu.memref_squeeze %parallel_loop3A_798 : memref<1x8x8x129xf32, #tpu.memory_space<vmem>> -> memref<8x8x129xf32, #tpu.memory_space<vmem>>
          tpu.vector_store_idx %parallel_loop3A_799[%shift_right_arithmetic3A_19, %and3A_42, %parallel_loop3A_763], %parallel_loop3A_794 : memref<8x8x129xf32, #tpu.memory_space<vmem>>[vector<16xi32>, vector<16xi32>, vector<16xi32>], vector<16xf32>,
          %parallel_loop3A_800 = arith.constant 0 : i32
          %parallel_loop3A_801 = arith.constant 0 : i32
          %parallel_loop3A_802 = tpu.memref_slice %arg6[%select_n3A_672, %parallel_loop3A_800, %parallel_loop3A_801] : memref<7x128x64xf32, #tpu.memory_space<vmem>> -> memref<1x128x64xf32, #tpu.memory_space<vmem>>
          %parallel_loop3A_803 = tpu.memref_squeeze %parallel_loop3A_802 : memref<1x128x64xf32, #tpu.memory_space<vmem>> -> memref<128x64xf32, #tpu.memory_space<vmem>>
          %parallel_loop3A_804 = arith.index_cast %parallel_loop3A_759 : i32 to index
          %parallel_loop3A_805 = arith.constant 48 : index
          %parallel_loop3A_806 = tpu.vector_load %parallel_loop3A_803[%parallel_loop3A_804, %parallel_loop3A_805] {strides = array<i32>} : memref<128x64xf32, #tpu.memory_space<vmem>>, vector<16xf32>,
          %parallel_loop3A_807 = arith.constant 0 : i32
          %parallel_loop3A_808 = arith.constant 0 : i32
          %parallel_loop3A_809 = arith.constant 0 : i32
          %parallel_loop3A_810 = tpu.memref_slice %arg7[%select_n3A_672, %parallel_loop3A_807, %parallel_loop3A_808, %parallel_loop3A_809] : memref<7x8x8x129xf32, #tpu.memory_space<vmem>> -> memref<1x8x8x129xf32, #tpu.memory_space<vmem>>
          %parallel_loop3A_811 = tpu.memref_squeeze %parallel_loop3A_810 : memref<1x8x8x129xf32, #tpu.memory_space<vmem>> -> memref<8x8x129xf32, #tpu.memory_space<vmem>>
          tpu.vector_store_idx %parallel_loop3A_811[%shift_right_arithmetic3A_25, %and3A_48, %parallel_loop3A_763], %parallel_loop3A_806 : memref<8x8x129xf32, #tpu.memory_space<vmem>>[vector<16xi32>, vector<16xi32>, vector<16xi32>], vector<16xf32>,
        } {sc.loop_unroll_factor = 8 : i64, sc.parallel_access}
        %add3A_689 = arith.addi %mul3A_2, %sub3A_656 : i32
        %jit3A_690 = arith.constant 32 : i32
        %div3A_691 = arith.divsi %add3A_689, %jit3A_690 : i32
        %sign3A_692 = arith.constant 0 : i32
        %sign3A_693 = arith.cmpi sgt, %add3A_689, %sign3A_692 : i32
        %sign3A_694 = arith.extui %sign3A_693 : i1 to i32
        %sign3A_695 = arith.constant 0 : i32
        %sign3A_696 = arith.cmpi slt, %add3A_689, %sign3A_695 : i32
        %sign3A_697 = arith.extui %sign3A_696 : i1 to i32
        %sign3A_698 = arith.subi %sign3A_694, %sign3A_697 : i32
        %sign3A_699 = arith.constant 0 : i32
        %sign3A_700 = arith.cmpi sgt, %jit3A_690, %sign3A_699 : i32
        %sign3A_701 = arith.extui %sign3A_700 : i1 to i32
        %sign3A_702 = arith.constant 0 : i32
        %sign3A_703 = arith.cmpi slt, %jit3A_690, %sign3A_702 : i32
        %sign3A_704 = arith.extui %sign3A_703 : i1 to i32
        %sign3A_705 = arith.subi %sign3A_701, %sign3A_704 : i32
        %ne3A_706 = arith.cmpi ne, %sign3A_698, %sign3A_705 : i32
        %rem3A_707 = arith.remsi %add3A_689, %jit3A_690 : i32
        %ne3A_708 = arith.constant 0 : i32
        %ne3A_709 = arith.cmpi ne, %rem3A_707, %ne3A_708 : i32
        %and3A_710 = arith.andi %ne3A_706, %ne3A_709 : i1
        %sub3A_711 = arith.constant 1 : i32
        %sub3A_712 = arith.subi %div3A_691, %sub3A_711 : i32
        %select_n3A_713 = arith.select %and3A_710, %sub3A_712, %div3A_691 : i32
        %jit3A_714 = arith.constant 32 : i32
        %eq3A_715 = arith.constant 0 : i32
        %eq3A_716 = arith.cmpi eq, %jit3A_714, %eq3A_715 : i32
        %jit3A_717 = arith.constant 1 : i32
        %select_n3A_718 = arith.select %eq3A_716, %jit3A_717, %jit3A_714 : i32
        %rem3A_719 = arith.remsi %add3A_689, %select_n3A_718 : i32
        %ne3A_720 = arith.constant 0 : i32
        %ne3A_721 = arith.cmpi ne, %rem3A_719, %ne3A_720 : i32
        %lt3A_722 = arith.constant 0 : i32
        %lt3A_723 = arith.cmpi slt, %rem3A_719, %lt3A_722 : i32
        %lt3A_724 = arith.constant 0 : i32
        %lt3A_725 = arith.cmpi slt, %select_n3A_718, %lt3A_724 : i32
        %ne3A_726 = arith.xori %lt3A_723, %lt3A_725 : i1
        %and3A_727 = arith.andi %ne3A_726, %ne3A_721 : i1
        %add3A_728 = arith.addi %rem3A_719, %select_n3A_718 : i32
        %select_n3A_729 = arith.select %and3A_727, %add3A_728, %rem3A_719 : i32
        %dma_start3A_730 = arith.constant 0 : i32
        %dma_start3A_731 = arith.constant 0 : i32
        %dma_start3A_732 = arith.constant 0 : i32
        %dma_start3A_733 = tpu.memref_slice %arg7[%select_n3A_672, %dma_start3A_730, %dma_start3A_731, %dma_start3A_732] : memref<7x8x8x129xf32, #tpu.memory_space<vmem>> -> memref<1x8x8x128xf32, #tpu.memory_space<vmem>>
        %dma_start3A_734 = tpu.memref_squeeze %dma_start3A_733 : memref<1x8x8x128xf32, #tpu.memory_space<vmem>> -> memref<8x8x128xf32, #tpu.memory_space<vmem>>
        %dma_start3A_735 = arith.constant 0 : i32
        %dma_start3A_736 = arith.constant 0 : i32
        %dma_start3A_737 = arith.constant 0 : i32
        %dma_start3A_738 = tpu.memref_slice %arg4[%select_n3A_713, %dma_start3A_735, %select_n3A_729, %dma_start3A_736, %dma_start3A_737] : memref<200x8x32x8x128xf32, #tpu.memory_space<hbm>> -> memref<1x8x1x8x128xf32, #tpu.memory_space<hbm>>
        %dma_start3A_739 = tpu.memref_squeeze %dma_start3A_738 : memref<1x8x1x8x128xf32, #tpu.memory_space<hbm>> -> memref<8x8x128xf32, #tpu.memory_space<hbm>>
        %dma_start3A_740 = tpu.memref_slice %arg10[%select_n3A_672] : memref<7x!tpu.dma_semaphore, #tpu.memory_space<semaphore_mem>> -> memref<1x!tpu.dma_semaphore, #tpu.memory_space<semaphore_mem>>
        %dma_start3A_741 = tpu.memref_squeeze %dma_start3A_740 : memref<1x!tpu.dma_semaphore, #tpu.memory_space<semaphore_mem>> -> memref<!tpu.dma_semaphore, #tpu.memory_space<semaphore_mem>>
        %dma_start3A_742 = arith.constant 0 : i32
        %dma_start3A_743 = arith.constant 0 : i32
        %dma_start3A_744 = arith.constant 0 : i32
        %dma_start3A_745 = tpu.memref_slice %arg4[%select_n3A_713, %dma_start3A_742, %select_n3A_729, %dma_start3A_743, %dma_start3A_744] : memref<200x8x32x8x128xf32, #tpu.memory_space<hbm>> -> memref<1x8x1x8x128xf32, #tpu.memory_space<hbm>>
        %dma_start3A_746 = tpu.memref_squeeze %dma_start3A_745 : memref<1x8x1x8x128xf32, #tpu.memory_space<hbm>> -> memref<8x8x128xf32, #tpu.memory_space<hbm>>
        %dma_start3A_747 = arith.constant 0 : i32
        %dma_start3A_748 = arith.constant 0 : i32
        %dma_start3A_749 = arith.constant 0 : i32
        %dma_start3A_750 = tpu.memref_slice %arg7[%select_n3A_672, %dma_start3A_747, %dma_start3A_748, %dma_start3A_749] : memref<7x8x8x129xf32, #tpu.memory_space<vmem>> -> memref<1x8x8x128xf32, #tpu.memory_space<vmem>>
        %dma_start3A_751 = tpu.memref_squeeze %dma_start3A_750 : memref<1x8x8x128xf32, #tpu.memory_space<vmem>> -> memref<8x8x128xf32, #tpu.memory_space<vmem>>
        tpu.enqueue_dma source(%dma_start3A_751 : memref<8x8x128xf32, #tpu.memory_space<vmem>>) target(%dma_start3A_746 : memref<8x8x128xf32, #tpu.memory_space<hbm>>) target_semaphore(%dma_start3A_741 : memref<!tpu.dma_semaphore, #tpu.memory_space<semaphore_mem>>)
        %add3A_752 = arith.constant 7 : i32
        %add3A_753 = arith.addi %sub3A_656, %add3A_752 : i32
        %lt3A_754 = arith.constant 200 : i32
        %lt3A_755 = arith.cmpi slt, %add3A_753, %lt3A_754 : i32
        %convert_element_type3A_756 = arith.extui %lt3A_755 : i1 to i32
        %cond3A_757 = arith.constant 0 : i32
        %cond3A_758 = arith.cmpi ne, %convert_element_type3A_756, %cond3A_757 : i32
        scf.if %cond3A_758 {
          %add3A_759 = arith.addi %mul3A_2, %sub3A_656 : i32
          %add3A_760 = arith.constant 7 : i32
          %add3A_761 = arith.addi %add3A_759, %add3A_760 : i32
          %jit3A_762 = arith.constant 32 : i32
          %div3A_763 = arith.divsi %add3A_761, %jit3A_762 : i32
          %sign3A_764 = arith.constant 0 : i32
          %sign3A_765 = arith.cmpi sgt, %add3A_761, %sign3A_764 : i32
          %sign3A_766 = arith.extui %sign3A_765 : i1 to i32
          %sign3A_767 = arith.constant 0 : i32
          %sign3A_768 = arith.cmpi slt, %add3A_761, %sign3A_767 : i32
          %sign3A_769 = arith.extui %sign3A_768 : i1 to i32
          %sign3A_770 = arith.subi %sign3A_766, %sign3A_769 : i32
          %sign3A_771 = arith.constant 0 : i32
          %sign3A_772 = arith.cmpi sgt, %jit3A_762, %sign3A_771 : i32
          %sign3A_773 = arith.extui %sign3A_772 : i1 to i32
          %sign3A_774 = arith.constant 0 : i32
          %sign3A_775 = arith.cmpi slt, %jit3A_762, %sign3A_774 : i32
          %sign3A_776 = arith.extui %sign3A_775 : i1 to i32
          %sign3A_777 = arith.subi %sign3A_773, %sign3A_776 : i32
          %ne3A_778 = arith.cmpi ne, %sign3A_770, %sign3A_777 : i32
          %rem3A_779 = arith.remsi %add3A_761, %jit3A_762 : i32
          %ne3A_780 = arith.constant 0 : i32
          %ne3A_781 = arith.cmpi ne, %rem3A_779, %ne3A_780 : i32
          %and3A_782 = arith.andi %ne3A_778, %ne3A_781 : i1
          %sub3A_783 = arith.constant 1 : i32
          %sub3A_784 = arith.subi %div3A_763, %sub3A_783 : i32
          %select_n3A_785 = arith.select %and3A_782, %sub3A_784, %div3A_763 : i32
          %jit3A_786 = arith.constant 32 : i32
          %eq3A_787 = arith.constant 0 : i32
          %eq3A_788 = arith.cmpi eq, %jit3A_786, %eq3A_787 : i32
          %jit3A_789 = arith.constant 1 : i32
          %select_n3A_790 = arith.select %eq3A_788, %jit3A_789, %jit3A_786 : i32
          %rem3A_791 = arith.remsi %add3A_761, %select_n3A_790 : i32
          %ne3A_792 = arith.constant 0 : i32
          %ne3A_793 = arith.cmpi ne, %rem3A_791, %ne3A_792 : i32
          %lt3A_794 = arith.constant 0 : i32
          %lt3A_795 = arith.cmpi slt, %rem3A_791, %lt3A_794 : i32
          %lt3A_796 = arith.constant 0 : i32
          %lt3A_797 = arith.cmpi slt, %select_n3A_790, %lt3A_796 : i32
          %ne3A_798 = arith.xori %lt3A_795, %lt3A_797 : i1
          %and3A_799 = arith.andi %ne3A_798, %ne3A_793 : i1
          %add3A_800 = arith.addi %rem3A_791, %select_n3A_790 : i32
          %select_n3A_801 = arith.select %and3A_799, %add3A_800, %rem3A_791 : i32
          %dma_start3A_802 = arith.constant 0 : i32
          %dma_start3A_803 = tpu.memref_slice %arg5[%select_n3A_672, %dma_start3A_802] : memref<7x128xi32, #tpu.memory_space<vmem>> -> memref<1x128xi32, #tpu.memory_space<vmem>>
          %dma_start3A_804 = tpu.memref_squeeze %dma_start3A_803 : memref<1x128xi32, #tpu.memory_space<vmem>> -> memref<128xi32, #tpu.memory_space<vmem>>
          %dma_start3A_805 = arith.constant 0 : i32
          %dma_start3A_806 = tpu.memref_slice %arg2[%select_n3A_785, %select_n3A_801, %dma_start3A_805] : memref<200x32x128xi32, #tpu.memory_space<hbm>> -> memref<1x1x128xi32, #tpu.memory_space<hbm>>
          %dma_start3A_807 = tpu.memref_squeeze %dma_start3A_806 : memref<1x1x128xi32, #tpu.memory_space<hbm>> -> memref<128xi32, #tpu.memory_space<hbm>>
          %dma_start3A_808 = tpu.memref_slice %arg8[%select_n3A_672] : memref<7x!tpu.dma_semaphore, #tpu.memory_space<semaphore_mem>> -> memref<1x!tpu.dma_semaphore, #tpu.memory_space<semaphore_mem>>
          %dma_start3A_809 = tpu.memref_squeeze %dma_start3A_808 : memref<1x!tpu.dma_semaphore, #tpu.memory_space<semaphore_mem>> -> memref<!tpu.dma_semaphore, #tpu.memory_space<semaphore_mem>>
          %dma_start3A_810 = arith.constant 0 : i32
          %dma_start3A_811 = tpu.memref_slice %arg5[%select_n3A_672, %dma_start3A_810] : memref<7x128xi32, #tpu.memory_space<vmem>> -> memref<1x128xi32, #tpu.memory_space<vmem>>
          %dma_start3A_812 = tpu.memref_squeeze %dma_start3A_811 : memref<1x128xi32, #tpu.memory_space<vmem>> -> memref<128xi32, #tpu.memory_space<vmem>>
          %dma_start3A_813 = arith.constant 0 : i32
          %dma_start3A_814 = tpu.memref_slice %arg2[%select_n3A_785, %select_n3A_801, %dma_start3A_813] : memref<200x32x128xi32, #tpu.memory_space<hbm>> -> memref<1x1x128xi32, #tpu.memory_space<hbm>>
          %dma_start3A_815 = tpu.memref_squeeze %dma_start3A_814 : memref<1x1x128xi32, #tpu.memory_space<hbm>> -> memref<128xi32, #tpu.memory_space<hbm>>
          tpu.enqueue_dma source(%dma_start3A_815 : memref<128xi32, #tpu.memory_space<hbm>>) target(%dma_start3A_812 : memref<128xi32, #tpu.memory_space<vmem>>) target_semaphore(%dma_start3A_809 : memref<!tpu.dma_semaphore, #tpu.memory_space<semaphore_mem>>)
        } else {
        }
      } else {
      }
    }
    %scan3A_449 = arith.constant 205 : i32
    %dma_wait3A = arith.constant 0 : i32
    %dma_wait3A_450 = arith.constant 0 : i32
    %dma_wait3A_451 = arith.constant 0 : i32
    %dma_wait3A_452 = arith.constant 4 : i32
    %dma_wait3A_453 = arith.constant 0 : i32
    %dma_wait3A_454 = arith.constant 0 : i32
    %dma_wait3A_455 = arith.constant 0 : i32
    %dma_wait3A_456 = tpu.memref_slice %arg7[%dma_wait3A, %dma_wait3A_453, %dma_wait3A_454, %dma_wait3A_455] : memref<7x8x8x129xf32, #tpu.memory_space<vmem>> -> memref<1x8x8x128xf32, #tpu.memory_space<vmem>>
    %dma_wait3A_457 = tpu.memref_squeeze %dma_wait3A_456 : memref<1x8x8x128xf32, #tpu.memory_space<vmem>> -> memref<8x8x128xf32, #tpu.memory_space<vmem>>
    %dma_wait3A_458 = arith.constant 0 : i32
    %dma_wait3A_459 = arith.constant 0 : i32
    %dma_wait3A_460 = arith.constant 0 : i32
    %dma_wait3A_461 = tpu.memref_slice %arg4[%dma_wait3A_450, %dma_wait3A_458, %dma_wait3A_451, %dma_wait3A_459, %dma_wait3A_460] : memref<200x8x32x8x128xf32, #tpu.memory_space<hbm>> -> memref<1x8x1x8x128xf32, #tpu.memory_space<hbm>>
    %dma_wait3A_462 = tpu.memref_squeeze %dma_wait3A_461 : memref<1x8x1x8x128xf32, #tpu.memory_space<hbm>> -> memref<8x8x128xf32, #tpu.memory_space<hbm>>
    %dma_wait3A_463 = tpu.memref_slice %arg10[%dma_wait3A_452] : memref<7x!tpu.dma_semaphore, #tpu.memory_space<semaphore_mem>> -> memref<1x!tpu.dma_semaphore, #tpu.memory_space<semaphore_mem>>
    %dma_wait3A_464 = tpu.memref_squeeze %dma_wait3A_463 : memref<1x!tpu.dma_semaphore, #tpu.memory_space<semaphore_mem>> -> memref<!tpu.dma_semaphore, #tpu.memory_space<semaphore_mem>>
    %dma_wait3A_465 = arith.constant 0 : i32
    %dma_wait3A_466 = arith.constant 0 : i32
    %dma_wait3A_467 = arith.constant 0 : i32
    %dma_wait3A_468 = tpu.memref_slice %arg4[%dma_wait3A_450, %dma_wait3A_465, %dma_wait3A_451, %dma_wait3A_466, %dma_wait3A_467] : memref<200x8x32x8x128xf32, #tpu.memory_space<hbm>> -> memref<1x8x1x8x128xf32, #tpu.memory_space<hbm>>
    %dma_wait3A_469 = tpu.memref_squeeze %dma_wait3A_468 : memref<1x8x1x8x128xf32, #tpu.memory_space<hbm>> -> memref<8x8x128xf32, #tpu.memory_space<hbm>>
    %dma_wait3A_470 = arith.constant 0 : i32
    %dma_wait3A_471 = arith.constant 0 : i32
    %dma_wait3A_472 = arith.constant 0 : i32
    %dma_wait3A_473 = tpu.memref_slice %arg7[%dma_wait3A, %dma_wait3A_470, %dma_wait3A_471, %dma_wait3A_472] : memref<7x8x8x129xf32, #tpu.memory_space<vmem>> -> memref<1x8x8x128xf32, #tpu.memory_space<vmem>>
    %dma_wait3A_474 = tpu.memref_squeeze %dma_wait3A_473 : memref<1x8x8x128xf32, #tpu.memory_space<vmem>> -> memref<8x8x128xf32, #tpu.memory_space<vmem>>
    tpu.wait_dma2 semaphore(%dma_wait3A_464 : memref<!tpu.dma_semaphore, #tpu.memory_space<semaphore_mem>>) src(%dma_wait3A_474 : memref<8x8x128xf32, #tpu.memory_space<vmem>>) dst(%dma_wait3A_469 : memref<8x8x128xf32, #tpu.memory_space<hbm>>)
    %dma_wait3A_475 = arith.constant 0 : i32
    %dma_wait3A_476 = arith.constant 0 : i32
    %dma_wait3A_477 = arith.constant 0 : i32
    %dma_wait3A_478 = arith.constant 5 : i32
    %dma_wait3A_479 = arith.constant 0 : i32
    %dma_wait3A_480 = arith.constant 0 : i32
    %dma_wait3A_481 = arith.constant 0 : i32
    %dma_wait3A_482 = tpu.memref_slice %arg7[%dma_wait3A_475, %dma_wait3A_479, %dma_wait3A_480, %dma_wait3A_481] : memref<7x8x8x129xf32, #tpu.memory_space<vmem>> -> memref<1x8x8x128xf32, #tpu.memory_space<vmem>>
    %dma_wait3A_483 = tpu.memref_squeeze %dma_wait3A_482 : memref<1x8x8x128xf32, #tpu.memory_space<vmem>> -> memref<8x8x128xf32, #tpu.memory_space<vmem>>
    %dma_wait3A_484 = arith.constant 0 : i32
    %dma_wait3A_485 = arith.constant 0 : i32
    %dma_wait3A_486 = arith.constant 0 : i32
    %dma_wait3A_487 = tpu.memref_slice %arg4[%dma_wait3A_476, %dma_wait3A_484, %dma_wait3A_477, %dma_wait3A_485, %dma_wait3A_486] : memref<200x8x32x8x128xf32, #tpu.memory_space<hbm>> -> memref<1x8x1x8x128xf32, #tpu.memory_space<hbm>>
    %dma_wait3A_488 = tpu.memref_squeeze %dma_wait3A_487 : memref<1x8x1x8x128xf32, #tpu.memory_space<hbm>> -> memref<8x8x128xf32, #tpu.memory_space<hbm>>
    %dma_wait3A_489 = tpu.memref_slice %arg10[%dma_wait3A_478] : memref<7x!tpu.dma_semaphore, #tpu.memory_space<semaphore_mem>> -> memref<1x!tpu.dma_semaphore, #tpu.memory_space<semaphore_mem>>
    %dma_wait3A_490 = tpu.memref_squeeze %dma_wait3A_489 : memref<1x!tpu.dma_semaphore, #tpu.memory_space<semaphore_mem>> -> memref<!tpu.dma_semaphore, #tpu.memory_space<semaphore_mem>>
    %dma_wait3A_491 = arith.constant 0 : i32
    %dma_wait3A_492 = arith.constant 0 : i32
    %dma_wait3A_493 = arith.constant 0 : i32
    %dma_wait3A_494 = tpu.memref_slice %arg4[%dma_wait3A_476, %dma_wait3A_491, %dma_wait3A_477, %dma_wait3A_492, %dma_wait3A_493] : memref<200x8x32x8x128xf32, #tpu.memory_space<hbm>> -> memref<1x8x1x8x128xf32, #tpu.memory_space<hbm>>
    %dma_wait3A_495 = tpu.memref_squeeze %dma_wait3A_494 : memref<1x8x1x8x128xf32, #tpu.memory_space<hbm>> -> memref<8x8x128xf32, #tpu.memory_space<hbm>>
    %dma_wait3A_496 = arith.constant 0 : i32
    %dma_wait3A_497 = arith.constant 0 : i32
    %dma_wait3A_498 = arith.constant 0 : i32
    %dma_wait3A_499 = tpu.memref_slice %arg7[%dma_wait3A_475, %dma_wait3A_496, %dma_wait3A_497, %dma_wait3A_498] : memref<7x8x8x129xf32, #tpu.memory_space<vmem>> -> memref<1x8x8x128xf32, #tpu.memory_space<vmem>>
    %dma_wait3A_500 = tpu.memref_squeeze %dma_wait3A_499 : memref<1x8x8x128xf32, #tpu.memory_space<vmem>> -> memref<8x8x128xf32, #tpu.memory_space<vmem>>
    tpu.wait_dma2 semaphore(%dma_wait3A_490 : memref<!tpu.dma_semaphore, #tpu.memory_space<semaphore_mem>>) src(%dma_wait3A_500 : memref<8x8x128xf32, #tpu.memory_space<vmem>>) dst(%dma_wait3A_495 : memref<8x8x128xf32, #tpu.memory_space<hbm>>)
    %dma_wait3A_501 = arith.constant 0 : i32
    %dma_wait3A_502 = arith.constant 0 : i32
    %dma_wait3A_503 = arith.constant 0 : i32
    %dma_wait3A_504 = arith.constant 6 : i32
    %dma_wait3A_505 = arith.constant 0 : i32
    %dma_wait3A_506 = arith.constant 0 : i32
    %dma_wait3A_507 = arith.constant 0 : i32
    %dma_wait3A_508 = tpu.memref_slice %arg7[%dma_wait3A_501, %dma_wait3A_505, %dma_wait3A_506, %dma_wait3A_507] : memref<7x8x8x129xf32, #tpu.memory_space<vmem>> -> memref<1x8x8x128xf32, #tpu.memory_space<vmem>>
    %dma_wait3A_509 = tpu.memref_squeeze %dma_wait3A_508 : memref<1x8x8x128xf32, #tpu.memory_space<vmem>> -> memref<8x8x128xf32, #tpu.memory_space<vmem>>
    %dma_wait3A_510 = arith.constant 0 : i32
    %dma_wait3A_511 = arith.constant 0 : i32
    %dma_wait3A_512 = arith.constant 0 : i32
    %dma_wait3A_513 = tpu.memref_slice %arg4[%dma_wait3A_502, %dma_wait3A_510, %dma_wait3A_503, %dma_wait3A_511, %dma_wait3A_512] : memref<200x8x32x8x128xf32, #tpu.memory_space<hbm>> -> memref<1x8x1x8x128xf32, #tpu.memory_space<hbm>>
    %dma_wait3A_514 = tpu.memref_squeeze %dma_wait3A_513 : memref<1x8x1x8x128xf32, #tpu.memory_space<hbm>> -> memref<8x8x128xf32, #tpu.memory_space<hbm>>
    %dma_wait3A_515 = tpu.memref_slice %arg10[%dma_wait3A_504] : memref<7x!tpu.dma_semaphore, #tpu.memory_space<semaphore_mem>> -> memref<1x!tpu.dma_semaphore, #tpu.memory_space<semaphore_mem>>
    %dma_wait3A_516 = tpu.memref_squeeze %dma_wait3A_515 : memref<1x!tpu.dma_semaphore, #tpu.memory_space<semaphore_mem>> -> memref<!tpu.dma_semaphore, #tpu.memory_space<semaphore_mem>>
    %dma_wait3A_517 = arith.constant 0 : i32
    %dma_wait3A_518 = arith.constant 0 : i32
    %dma_wait3A_519 = arith.constant 0 : i32
    %dma_wait3A_520 = tpu.memref_slice %arg4[%dma_wait3A_502, %dma_wait3A_517, %dma_wait3A_503, %dma_wait3A_518, %dma_wait3A_519] : memref<200x8x32x8x128xf32, #tpu.memory_space<hbm>> -> memref<1x8x1x8x128xf32, #tpu.memory_space<hbm>>
    %dma_wait3A_521 = tpu.memref_squeeze %dma_wait3A_520 : memref<1x8x1x8x128xf32, #tpu.memory_space<hbm>> -> memref<8x8x128xf32, #tpu.memory_space<hbm>>
    %dma_wait3A_522 = arith.constant 0 : i32
    %dma_wait3A_523 = arith.constant 0 : i32
    %dma_wait3A_524 = arith.constant 0 : i32
    %dma_wait3A_525 = tpu.memref_slice %arg7[%dma_wait3A_501, %dma_wait3A_522, %dma_wait3A_523, %dma_wait3A_524] : memref<7x8x8x129xf32, #tpu.memory_space<vmem>> -> memref<1x8x8x128xf32, #tpu.memory_space<vmem>>
    %dma_wait3A_526 = tpu.memref_squeeze %dma_wait3A_525 : memref<1x8x8x128xf32, #tpu.memory_space<vmem>> -> memref<8x8x128xf32, #tpu.memory_space<vmem>>
    tpu.wait_dma2 semaphore(%dma_wait3A_516 : memref<!tpu.dma_semaphore, #tpu.memory_space<semaphore_mem>>) src(%dma_wait3A_526 : memref<8x8x128xf32, #tpu.memory_space<vmem>>) dst(%dma_wait3A_521 : memref<8x8x128xf32, #tpu.memory_space<hbm>>)
    %dma_wait3A_527 = arith.constant 0 : i32
    %dma_wait3A_528 = arith.constant 0 : i32
    %dma_wait3A_529 = arith.constant 0 : i32
    %dma_wait3A_530 = arith.constant 0 : i32
    %dma_wait3A_531 = arith.constant 0 : i32
    %dma_wait3A_532 = arith.constant 0 : i32
    %dma_wait3A_533 = arith.constant 0 : i32
    %dma_wait3A_534 = tpu.memref_slice %arg7[%dma_wait3A_527, %dma_wait3A_531, %dma_wait3A_532, %dma_wait3A_533] : memref<7x8x8x129xf32, #tpu.memory_space<vmem>> -> memref<1x8x8x128xf32, #tpu.memory_space<vmem>>
    %dma_wait3A_535 = tpu.memref_squeeze %dma_wait3A_534 : memref<1x8x8x128xf32, #tpu.memory_space<vmem>> -> memref<8x8x128xf32, #tpu.memory_space<vmem>>
    %dma_wait3A_536 = arith.constant 0 : i32
    %dma_wait3A_537 = arith.constant 0 : i32
    %dma_wait3A_538 = arith.constant 0 : i32
    %dma_wait3A_539 = tpu.memref_slice %arg4[%dma_wait3A_528, %dma_wait3A_536, %dma_wait3A_529, %dma_wait3A_537, %dma_wait3A_538] : memref<200x8x32x8x128xf32, #tpu.memory_space<hbm>> -> memref<1x8x1x8x128xf32, #tpu.memory_space<hbm>>
    %dma_wait3A_540 = tpu.memref_squeeze %dma_wait3A_539 : memref<1x8x1x8x128xf32, #tpu.memory_space<hbm>> -> memref<8x8x128xf32, #tpu.memory_space<hbm>>
    %dma_wait3A_541 = tpu.memref_slice %arg10[%dma_wait3A_530] : memref<7x!tpu.dma_semaphore, #tpu.memory_space<semaphore_mem>> -> memref<1x!tpu.dma_semaphore, #tpu.memory_space<semaphore_mem>>
    %dma_wait3A_542 = tpu.memref_squeeze %dma_wait3A_541 : memref<1x!tpu.dma_semaphore, #tpu.memory_space<semaphore_mem>> -> memref<!tpu.dma_semaphore, #tpu.memory_space<semaphore_mem>>
    %dma_wait3A_543 = arith.constant 0 : i32
    %dma_wait3A_544 = arith.constant 0 : i32
    %dma_wait3A_545 = arith.constant 0 : i32
    %dma_wait3A_546 = tpu.memref_slice %arg4[%dma_wait3A_528, %dma_wait3A_543, %dma_wait3A_529, %dma_wait3A_544, %dma_wait3A_545] : memref<200x8x32x8x128xf32, #tpu.memory_space<hbm>> -> memref<1x8x1x8x128xf32, #tpu.memory_space<hbm>>
    %dma_wait3A_547 = tpu.memref_squeeze %dma_wait3A_546 : memref<1x8x1x8x128xf32, #tpu.memory_space<hbm>> -> memref<8x8x128xf32, #tpu.memory_space<hbm>>
    %dma_wait3A_548 = arith.constant 0 : i32
    %dma_wait3A_549 = arith.constant 0 : i32
    %dma_wait3A_550 = arith.constant 0 : i32
    %dma_wait3A_551 = tpu.memref_slice %arg7[%dma_wait3A_527, %dma_wait3A_548, %dma_wait3A_549, %dma_wait3A_550] : memref<7x8x8x129xf32, #tpu.memory_space<vmem>> -> memref<1x8x8x128xf32, #tpu.memory_space<vmem>>
    %dma_wait3A_552 = tpu.memref_squeeze %dma_wait3A_551 : memref<1x8x8x128xf32, #tpu.memory_space<vmem>> -> memref<8x8x128xf32, #tpu.memory_space<vmem>>
    tpu.wait_dma2 semaphore(%dma_wait3A_542 : memref<!tpu.dma_semaphore, #tpu.memory_space<semaphore_mem>>) src(%dma_wait3A_552 : memref<8x8x128xf32, #tpu.memory_space<vmem>>) dst(%dma_wait3A_547 : memref<8x8x128xf32, #tpu.memory_space<hbm>>)
    %dma_wait3A_553 = arith.constant 0 : i32
    %dma_wait3A_554 = arith.constant 0 : i32
    %dma_wait3A_555 = arith.constant 0 : i32
    %dma_wait3A_556 = arith.constant 1 : i32
    %dma_wait3A_557 = arith.constant 0 : i32
    %dma_wait3A_558 = arith.constant 0 : i32
    %dma_wait3A_559 = arith.constant 0 : i32
    %dma_wait3A_560 = tpu.memref_slice %arg7[%dma_wait3A_553, %dma_wait3A_557, %dma_wait3A_558, %dma_wait3A_559] : memref<7x8x8x129xf32, #tpu.memory_space<vmem>> -> memref<1x8x8x128xf32, #tpu.memory_space<vmem>>
    %dma_wait3A_561 = tpu.memref_squeeze %dma_wait3A_560 : memref<1x8x8x128xf32, #tpu.memory_space<vmem>> -> memref<8x8x128xf32, #tpu.memory_space<vmem>>
    %dma_wait3A_562 = arith.constant 0 : i32
    %dma_wait3A_563 = arith.constant 0 : i32
    %dma_wait3A_564 = arith.constant 0 : i32
    %dma_wait3A_565 = tpu.memref_slice %arg4[%dma_wait3A_554, %dma_wait3A_562, %dma_wait3A_555, %dma_wait3A_563, %dma_wait3A_564] : memref<200x8x32x8x128xf32, #tpu.memory_space<hbm>> -> memref<1x8x1x8x128xf32, #tpu.memory_space<hbm>>
    %dma_wait3A_566 = tpu.memref_squeeze %dma_wait3A_565 : memref<1x8x1x8x128xf32, #tpu.memory_space<hbm>> -> memref<8x8x128xf32, #tpu.memory_space<hbm>>
    %dma_wait3A_567 = tpu.memref_slice %arg10[%dma_wait3A_556] : memref<7x!tpu.dma_semaphore, #tpu.memory_space<semaphore_mem>> -> memref<1x!tpu.dma_semaphore, #tpu.memory_space<semaphore_mem>>
    %dma_wait3A_568 = tpu.memref_squeeze %dma_wait3A_567 : memref<1x!tpu.dma_semaphore, #tpu.memory_space<semaphore_mem>> -> memref<!tpu.dma_semaphore, #tpu.memory_space<semaphore_mem>>
    %dma_wait3A_569 = arith.constant 0 : i32
    %dma_wait3A_570 = arith.constant 0 : i32
    %dma_wait3A_571 = arith.constant 0 : i32
    %dma_wait3A_572 = tpu.memref_slice %arg4[%dma_wait3A_554, %dma_wait3A_569, %dma_wait3A_555, %dma_wait3A_570, %dma_wait3A_571] : memref<200x8x32x8x128xf32, #tpu.memory_space<hbm>> -> memref<1x8x1x8x128xf32, #tpu.memory_space<hbm>>
    %dma_wait3A_573 = tpu.memref_squeeze %dma_wait3A_572 : memref<1x8x1x8x128xf32, #tpu.memory_space<hbm>> -> memref<8x8x128xf32, #tpu.memory_space<hbm>>
    %dma_wait3A_574 = arith.constant 0 : i32
    %dma_wait3A_575 = arith.constant 0 : i32
    %dma_wait3A_576 = arith.constant 0 : i32
    %dma_wait3A_577 = tpu.memref_slice %arg7[%dma_wait3A_553, %dma_wait3A_574, %dma_wait3A_575, %dma_wait3A_576] : memref<7x8x8x129xf32, #tpu.memory_space<vmem>> -> memref<1x8x8x128xf32, #tpu.memory_space<vmem>>
    %dma_wait3A_578 = tpu.memref_squeeze %dma_wait3A_577 : memref<1x8x8x128xf32, #tpu.memory_space<vmem>> -> memref<8x8x128xf32, #tpu.memory_space<vmem>>
    tpu.wait_dma2 semaphore(%dma_wait3A_568 : memref<!tpu.dma_semaphore, #tpu.memory_space<semaphore_mem>>) src(%dma_wait3A_578 : memref<8x8x128xf32, #tpu.memory_space<vmem>>) dst(%dma_wait3A_573 : memref<8x8x128xf32, #tpu.memory_space<hbm>>)
    %dma_wait3A_579 = arith.constant 0 : i32
    %dma_wait3A_580 = arith.constant 0 : i32
    %dma_wait3A_581 = arith.constant 0 : i32
    %dma_wait3A_582 = arith.constant 2 : i32
    %dma_wait3A_583 = arith.constant 0 : i32
    %dma_wait3A_584 = arith.constant 0 : i32
    %dma_wait3A_585 = arith.constant 0 : i32
    %dma_wait3A_586 = tpu.memref_slice %arg7[%dma_wait3A_579, %dma_wait3A_583, %dma_wait3A_584, %dma_wait3A_585] : memref<7x8x8x129xf32, #tpu.memory_space<vmem>> -> memref<1x8x8x128xf32, #tpu.memory_space<vmem>>
    %dma_wait3A_587 = tpu.memref_squeeze %dma_wait3A_586 : memref<1x8x8x128xf32, #tpu.memory_space<vmem>> -> memref<8x8x128xf32, #tpu.memory_space<vmem>>
    %dma_wait3A_588 = arith.constant 0 : i32
    %dma_wait3A_589 = arith.constant 0 : i32
    %dma_wait3A_590 = arith.constant 0 : i32
    %dma_wait3A_591 = tpu.memref_slice %arg4[%dma_wait3A_580, %dma_wait3A_588, %dma_wait3A_581, %dma_wait3A_589, %dma_wait3A_590] : memref<200x8x32x8x128xf32, #tpu.memory_space<hbm>> -> memref<1x8x1x8x128xf32, #tpu.memory_space<hbm>>
    %dma_wait3A_592 = tpu.memref_squeeze %dma_wait3A_591 : memref<1x8x1x8x128xf32, #tpu.memory_space<hbm>> -> memref<8x8x128xf32, #tpu.memory_space<hbm>>
    %dma_wait3A_593 = tpu.memref_slice %arg10[%dma_wait3A_582] : memref<7x!tpu.dma_semaphore, #tpu.memory_space<semaphore_mem>> -> memref<1x!tpu.dma_semaphore, #tpu.memory_space<semaphore_mem>>
    %dma_wait3A_594 = tpu.memref_squeeze %dma_wait3A_593 : memref<1x!tpu.dma_semaphore, #tpu.memory_space<semaphore_mem>> -> memref<!tpu.dma_semaphore, #tpu.memory_space<semaphore_mem>>
    %dma_wait3A_595 = arith.constant 0 : i32
    %dma_wait3A_596 = arith.constant 0 : i32
    %dma_wait3A_597 = arith.constant 0 : i32
    %dma_wait3A_598 = tpu.memref_slice %arg4[%dma_wait3A_580, %dma_wait3A_595, %dma_wait3A_581, %dma_wait3A_596, %dma_wait3A_597] : memref<200x8x32x8x128xf32, #tpu.memory_space<hbm>> -> memref<1x8x1x8x128xf32, #tpu.memory_space<hbm>>
    %dma_wait3A_599 = tpu.memref_squeeze %dma_wait3A_598 : memref<1x8x1x8x128xf32, #tpu.memory_space<hbm>> -> memref<8x8x128xf32, #tpu.memory_space<hbm>>
    %dma_wait3A_600 = arith.constant 0 : i32
    %dma_wait3A_601 = arith.constant 0 : i32
    %dma_wait3A_602 = arith.constant 0 : i32
    %dma_wait3A_603 = tpu.memref_slice %arg7[%dma_wait3A_579, %dma_wait3A_600, %dma_wait3A_601, %dma_wait3A_602] : memref<7x8x8x129xf32, #tpu.memory_space<vmem>> -> memref<1x8x8x128xf32, #tpu.memory_space<vmem>>
    %dma_wait3A_604 = tpu.memref_squeeze %dma_wait3A_603 : memref<1x8x8x128xf32, #tpu.memory_space<vmem>> -> memref<8x8x128xf32, #tpu.memory_space<vmem>>
    tpu.wait_dma2 semaphore(%dma_wait3A_594 : memref<!tpu.dma_semaphore, #tpu.memory_space<semaphore_mem>>) src(%dma_wait3A_604 : memref<8x8x128xf32, #tpu.memory_space<vmem>>) dst(%dma_wait3A_599 : memref<8x8x128xf32, #tpu.memory_space<hbm>>)
    %dma_wait3A_605 = arith.constant 0 : i32
    %dma_wait3A_606 = arith.constant 0 : i32
    %dma_wait3A_607 = arith.constant 0 : i32
    %dma_wait3A_608 = arith.constant 3 : i32
    %dma_wait3A_609 = arith.constant 0 : i32
    %dma_wait3A_610 = arith.constant 0 : i32
    %dma_wait3A_611 = arith.constant 0 : i32
    %dma_wait3A_612 = tpu.memref_slice %arg7[%dma_wait3A_605, %dma_wait3A_609, %dma_wait3A_610, %dma_wait3A_611] : memref<7x8x8x129xf32, #tpu.memory_space<vmem>> -> memref<1x8x8x128xf32, #tpu.memory_space<vmem>>
    %dma_wait3A_613 = tpu.memref_squeeze %dma_wait3A_612 : memref<1x8x8x128xf32, #tpu.memory_space<vmem>> -> memref<8x8x128xf32, #tpu.memory_space<vmem>>
    %dma_wait3A_614 = arith.constant 0 : i32
    %dma_wait3A_615 = arith.constant 0 : i32
    %dma_wait3A_616 = arith.constant 0 : i32
    %dma_wait3A_617 = tpu.memref_slice %arg4[%dma_wait3A_606, %dma_wait3A_614, %dma_wait3A_607, %dma_wait3A_615, %dma_wait3A_616] : memref<200x8x32x8x128xf32, #tpu.memory_space<hbm>> -> memref<1x8x1x8x128xf32, #tpu.memory_space<hbm>>
    %dma_wait3A_618 = tpu.memref_squeeze %dma_wait3A_617 : memref<1x8x1x8x128xf32, #tpu.memory_space<hbm>> -> memref<8x8x128xf32, #tpu.memory_space<hbm>>
    %dma_wait3A_619 = tpu.memref_slice %arg10[%dma_wait3A_608] : memref<7x!tpu.dma_semaphore, #tpu.memory_space<semaphore_mem>> -> memref<1x!tpu.dma_semaphore, #tpu.memory_space<semaphore_mem>>
    %dma_wait3A_620 = tpu.memref_squeeze %dma_wait3A_619 : memref<1x!tpu.dma_semaphore, #tpu.memory_space<semaphore_mem>> -> memref<!tpu.dma_semaphore, #tpu.memory_space<semaphore_mem>>
    %dma_wait3A_621 = arith.constant 0 : i32
    %dma_wait3A_622 = arith.constant 0 : i32
    %dma_wait3A_623 = arith.constant 0 : i32
    %dma_wait3A_624 = tpu.memref_slice %arg4[%dma_wait3A_606, %dma_wait3A_621, %dma_wait3A_607, %dma_wait3A_622, %dma_wait3A_623] : memref<200x8x32x8x128xf32, #tpu.memory_space<hbm>> -> memref<1x8x1x8x128xf32, #tpu.memory_space<hbm>>
    %dma_wait3A_625 = tpu.memref_squeeze %dma_wait3A_624 : memref<1x8x1x8x128xf32, #tpu.memory_space<hbm>> -> memref<8x8x128xf32, #tpu.memory_space<hbm>>
    %dma_wait3A_626 = arith.constant 0 : i32
    %dma_wait3A_627 = arith.constant 0 : i32
    %dma_wait3A_628 = arith.constant 0 : i32
    %dma_wait3A_629 = tpu.memref_slice %arg7[%dma_wait3A_605, %dma_wait3A_626, %dma_wait3A_627, %dma_wait3A_628] : memref<7x8x8x129xf32, #tpu.memory_space<vmem>> -> memref<1x8x8x128xf32, #tpu.memory_space<vmem>>
    %dma_wait3A_630 = tpu.memref_squeeze %dma_wait3A_629 : memref<1x8x8x128xf32, #tpu.memory_space<vmem>> -> memref<8x8x128xf32, #tpu.memory_space<vmem>>
    tpu.wait_dma2 semaphore(%dma_wait3A_620 : memref<!tpu.dma_semaphore, #tpu.memory_space<semaphore_mem>>) src(%dma_wait3A_630 : memref<8x8x128xf32, #tpu.memory_space<vmem>>) dst(%dma_wait3A_625 : memref<8x8x128xf32, #tpu.memory_space<hbm>>)
    return
  }
}

</mosaic_0001>

<sc_bundles>
// kernel: kernel.3.cloned.1.call-start
scs
__scs_entry_jumppad:
0x0: {  	(pc) =	sbr.rel $0x88, $3  }
0x1: {  	(tag) =	ssettag $0x0;
	lr =	simm.s32 $0x1  }
0x2: {  	[smem:$0x3F9F] =	sst lr;
	_ =	strace $0xD0000000  }
0x3: {  	_ = 	snop  }
0x4: {  	_ = 	snop  }
0x5: {  	_ = 	snop  }
0x6: {  	_ = 	snop  }
0x7: {  	_ = 	snop  }
__scs_overlays_trampoline_lowered:
0x8: {  	[smem:$0x3FAE] =	sst s0  }
0x9: {  	[smem:$0x3FAF] =	sst s1  }
0xa: {  	[smem:$0x3FB0] =	sst s2  }
0xb: {  	[smem:$0x3FB1] =	sst s3  }
0xc: {  	[smem:$0x3FB2] =	sst s4  }
0xd: {  	[smem:$0x3FB3] =	sst s5  }
0xe: {  	[smem:$0x3FB4] =	sst s6  }
0xf: {  	[smem:$0x3FB5] =	sst s7  }
0x10: {  	[smem:$0x3FB6] =	sst s8  }
0x11: {  	[smem:$0x3FB7] =	sst s9;
	s0 =	simm.s32 @!p0 $0x0  }
0x12: {  	s1 =	sld [smem:$0x3F9D];
	s0 =	simm.s32 @p0 $0x1  }
0x13: {  	[smem:$0x3FB8] =	sst s0;
	s0 =	simm.s32 @!p1 $0x0  }
0x14: {  	s2 =	sld [smem:$0x3F9C];
	s0 =	simm.s32 @p1 $0x1  }
0x15: {  	[smem:$0x3FB9] =	sst s0;
	s0 =	simm.s32 @!p2 $0x0  }
0x16: {  	s3 =	sld [smem:$0x3FDB];
	s0 =	simm.s32 @p2 $0x1  }
0x17: {  	s4 =	simm.s32 $0x1BF5;
	[smem:$0x3FBB] =	sst s0  }
0x18: {  	s0 =	sld [smem:$0x3F9E];
	_ =	swait.ge [sflag:s4], $0x0  }
0x19: {  	s7 =	sld [smem:$0x3F9F]  }
0x1a: {  	s8 =	sadd.s32 $0xFFFFE003, lr  }
0x1b: {  	s9 =	sadd.s32 $0xFFFFFEF7, lr;
	s5 =	simm.s32 $0xFFFFFFFF;
	p2 =	slt.u32 s8, $0xFFFFF086  }
0x1c: {  	p1 =	slt.u32 s9, $0xF7A;
	s5 =	simm.s32 @!p2 $0x0  }
0x1d: {  	s5 =	simm.s32 @p1 $0x1;
	p0 =	seq.s32 s7, s2  }
0x1e: {  	s7 =	smul.u32 @!p0 $0xF7A, s2;
	p2 =	seq.s32 @!p0 s5, $0x0  }
0x1f: {  	s9 =	smul.u32 $0xF7A, s1;
	s8 =	simm.s32 @!p0 $0x1BF5;
	p2 =	por !p2, p0  }
0x20: {  	[sflag:s8] =	ssyncset.s32 @!p0 $0xFFFFF086;
	s6 =	sadd.s32 @!p0 s3, s7;
	s7 =	simm.s32 @!p0 $0x108  }
0x21: {  	s3 =	sadd.s32 s3, s9;
	s6 =	sadd.s32 @!p0 $0x88, s6;
	s7 =	simm.s32 @p2 $0x1082  }
0x22: {  	[simem:s7], [sflag:s8] =	dma.local @!p0 [hbm:s6], $0xF7A  }
0x23: {  	s9 =	sor.u32 $0xD0000000, s2;
	s6 =	simm.s32 $0x108;
	_ =	swait.ge @!p0 [sflag:s8], $0x0  }
0x24: {  	s3 =	sadd.s32 $0x88, s3;
	s6 =	simm.s32 @!p1 $0x1082;
	[sflag:s4] =	ssyncset.s32 $0xFFFFF086  }
0x25: {  	[simem:s6], [sflag:s4] =	dma.local [hbm:s3], $0xF7A  }
0x26: {  	[smem:$0x3F9F] =	sst s1;
	(tag) =	ssettag s2;
	_ =	strace s9  }
0x27: {  	s1 =	sld [smem:$0x3FAF]  }
0x28: {  	s2 =	sld [smem:$0x3FB0]  }
0x29: {  	s4 =	sld [smem:$0x3FB2]  }
0x2a: {  	p0 =	seq.s32 s5, $0x0;
	s5 =	sld [smem:$0x3FB3]  }
0x2b: {  	s6 =	sld [smem:$0x3FB4]  }
0x2c: {  	s7 =	sld [smem:$0x3FB5]  }
0x2d: {  	s3 =	simm.s32 $0x108;
	s8 =	sld [smem:$0x3FB6]  }
0x2e: {  	s3 =	simm.s32 @!p0 $0x1082;
	s9 =	sld [smem:$0x3FB7]  }
0x2f: {  	lr =	sadd.s32 s0, s3;
	s0 =	sld [smem:$0x3FAE]  }
0x30: {  	s3 =	sld [smem:$0x3FB1]  }
0x31: {  	[smem:$0x3FBA] =	sst s10  }
0x32: {  	s10 =	sld [smem:$0x3FB8];
	_ =	sdelay $0x3  }
0x33: {  	p0 =	seq.s32 s10, $0x1;
	s10 =	sld [smem:$0x3FBA];
	_ =	sdelay $0x3  }
0x34: {  	[smem:$0x3FBA] =	sst s10  }
0x35: {  	s10 =	sld [smem:$0x3FB9];
	_ =	sdelay $0x3  }
0x36: {  	p1 =	seq.s32 s10, $0x1;
	s10 =	sld [smem:$0x3FBA];
	_ =	sdelay $0x3  }
0x37: {  	[smem:$0x3FBA] =	sst s10  }
0x38: {  	s10 =	sld [smem:$0x3FBB]  }
0x39: {  	_ = 	snop;
	(pc) =	sbr.ind lr, $3  }
0x3a: {  	_ = 	snop  }
0x3b: {  	_ = 	snop  }
0x3c: {  	p2 =	seq.s32 s10, $0x1;
	s10 =	sld [smem:$0x3FBA]  }
0x3d: {  	_ =	shalt  }
0x3e: {  	_ =	shalt  }
0x3f: {  	_ =	shalt  }
0x40: {  	_ =	shalt  }
0x41: {  	_ =	shalt  }
0x42: {  	_ =	shalt  }
0x43: {  	_ =	shalt  }
0x44: {  	_ =	shalt  }
0x45: {  	_ =	shalt  }
0x46: {  	_ =	shalt  }
0x47: {  	_ =	shalt  }
0x48: {  	_ =	shalt  }
0x49: {  	_ =	shalt  }
0x4a: {  	_ =	shalt  }
0x4b: {  	_ =	shalt  }
0x4c: {  	_ =	shalt  }
0x4d: {  	_ =	shalt  }
0x4e: {  	_ =	shalt  }
0x4f: {  	_ =	shalt  }
0x50: {  	_ =	shalt  }
0x51: {  	_ =	shalt  }
0x52: {  	_ =	shalt  }
0x53: {  	_ =	shalt  }
0x54: {  	_ =	shalt  }
0x55: {  	_ =	shalt  }
0x56: {  	_ =	shalt  }
0x57: {  	_ =	shalt  }
0x58: {  	_ =	shalt  }
0x59: {  	_ =	shalt  }
0x5a: {  	_ =	shalt  }
0x5b: {  	_ =	shalt  }
0x5c: {  	_ =	shalt  }
0x5d: {  	_ =	shalt  }
0x5e: {  	_ =	shalt  }
0x5f: {  	_ =	shalt  }
0x60: {  	_ =	shalt  }
0x61: {  	_ =	shalt  }
0x62: {  	_ =	shalt  }
0x63: {  	_ =	shalt  }
0x64: {  	_ =	shalt  }
0x65: {  	_ =	shalt  }
0x66: {  	_ =	shalt  }
0x67: {  	_ =	shalt  }
0x68: {  	_ =	shalt  }
0x69: {  	_ =	shalt  }
0x6a: {  	_ =	shalt  }
0x6b: {  	_ =	shalt  }
0x6c: {  	_ =	shalt  }
0x6d: {  	_ =	shalt  }
0x6e: {  	_ =	shalt  }
0x6f: {  	_ =	shalt  }
0x70: {  	_ =	shalt  }
0x71: {  	_ =	shalt  }
0x72: {  	_ =	shalt  }
0x73: {  	_ =	shalt  }
0x74: {  	_ =	shalt  }
0x75: {  	_ =	shalt  }
0x76: {  	_ =	shalt  }
0x77: {  	_ =	shalt  }
0x78: {  	_ =	shalt  }
0x79: {  	_ =	shalt  }
0x7a: {  	_ =	shalt  }
0x7b: {  	_ =	shalt  }
0x7c: {  	_ =	shalt  }
0x7d: {  	_ =	shalt  }
0x7e: {  	_ =	shalt  }
0x7f: {  	_ =	shalt  }
0x80: {  	_ =	shalt  }
0x81: {  	_ =	shalt  }
0x82: {  	_ =	shalt  }
0x83: {  	_ =	shalt  }
0x84: {  	_ =	shalt  }
0x85: {  	_ =	shalt  }
0x86: {  	_ =	shalt  }
0x87: {  	_ =	shalt  }
.Lfunc_end0:
.L_simem_size_0:
called_computation.1_lowered:
.L_overlay_start_0:
0x88: {  	s2 =	sld [smem:$0x3FD9]  }
0x89: {  	s3 =	sld [smem:$0x3FFE];
	_ =	sdelay $0x1  }
0x8a: {  	s1 =	srdreg.scid  }
0x8b: {  	s0 =	sand.u32 $0x1, s1  }
0x8c: {  	s17 =	sshll.u32 s0, $0xA;
	s2 =	sadd.s32 s3, s2  }
0x8d: {  	s2 =	sadd.s32 s2, s17  }
0x8e: {  	[smem:$0x3FC6] =	sst s2  }
0x8f: {  	_ = 	snop  }
0x90: {  	s2 =	sld [smem:$0x3FD0];
	(tm) =	ssettm $0x1  }
0x91: {  	s18 =	sld [smem:$0x3FFB];
	_ =	sdelay $0x3  }
0x92: {  	_ =	strace s18  }
0x93: {  	s3 =	sld [smem:$0x3FFC];
	_ =	sdelay $0x3  }
0x94: {  	_ =	strace s3  }
0x95: {  	s3 =	sld [smem:$0x3FFD];
	_ =	sdelay $0x3  }
0x96: {  	_ =	strace s3  }
0x97: {  	_ =	strace $0x8FFFFFFF  }
0x98: {  	s19 =	sld [smem:$0x3FDB];
	_ =	sdelay $0x1  }
0x99: {  	s4 =	simm.s32 $_scs_section_size  }
0x9a: {  	s5 =	simm.s32 $_size__tile_overlayer_lowered;
	s6 =	simm.s32 $_tile_overlayer_lowered  }
0x9b: {  	s22 =	simm.s32 $0x1BFF;
	s21 =	sshll.u32 s6, $0x1;
	s3 =	sadd.s32 s4, s19  }
0x9c: {  	s7 =	simm.s32 $0x0;
	s20 =	sshll.u32 s5, $0x1;
	s5 =	sadd.s32 s21, s3  }
0x9d: {  	[timem:s7], [sflag:s22] =	dma.local [hbm:s5], s20  }
0x9e: {  	_ =	swait.ge [sflag:s22], s20  }
0x9f: {  	s4 =	ssub.s32 $0x0, s20;
	[sflag:s22] =	ssyncset.done $0x0  }
0xa0: {  	[sflag:s22] =	ssyncadd.s32 s4;
	_ =	sdelay $0x1  }
0xa1: {  	s23 =	simm.s32 $0x1B8B  }
0xa2: {  	_ =	swait.ge [sflag:s23], $0x1  }
0xa3: {  	[sflag:s23] =	ssyncset.done $0x0  }
0xa4: {  	s25 =	simm.s32 $0x1B8E;
	s24 =	sld [smem:$0x3FFE];
	[sflag:s23] =	ssyncadd.s32 $0xFFFFFFFF  }
0xa5: {  	s26 =	simm.s32 $execute0_lowered;
	[smem:$0x3FD2] =	sst s25  }
0xa6: {  	s5 =	sshll.u32 s26, $0x1;
	_ =	strace $0x80000049;
	[dreg:$0x1] =	wrdreg $0xFFFFFFFF  }
0xa7: {  	s28 =	simm.s32 $_size_execute0_lowered;
	s3 =	sadd.s32 s3, s5;
	[dreg:$0x0] =	wrdreg $0x0  }
0xa8: {  	s5 =	sshll.u32 s28, $0x1;
	[dreg:$0x2] =	wrdreg s3  }
0xa9: {  	[dreg:$0x3] =	wrdreg s5  }
0xaa: {  	[dreg:$0x4] =	wrdreg $0xC0  }
0xab: {  	_ =	task [dreg:s7], $0x5FFFF  }
0xac: {  	[dreg:$0x1] =	wrdreg $0xFFFFFFFF  }
0xad: {  	[dreg:$0x0] =	wrdreg $0x60  }
0xae: {  	[dreg:$0x2] =	wrdreg s24  }
0xaf: {  	[dreg:$0x3] =	wrdreg s2  }
0xb0: {  	[dreg:$0x4] =	wrdreg $0x9  }
0xb1: {  	_ =	task.clear_ibuf [dreg:s7], $0x5FFFF;
	_ =	strace $0x90000049  }
0xb2: {  	s29 =	simm.s32 $0x9;
	_ =	strace $0x8000004B  }
0xb3: {  	_ =	swait.ge [sflag:s29], $0x1  }
0xb4: {  	[sflag:s29] =	ssyncadd.s32 $0xFFFFFFFF  }
0xb5: {  	_ =	strace $0x9000004B  }
0xb6: {  	_ =	sfence  }
0xb7: {  	s30 =	sld [smem:$0x0];
	_ =	sdelay $0x2  }
0xb8: {  	s31 =	sshll.u32 s1, $0xD;
	s1 =	sshrl.u32 s1, $0x2  }
0xb9: {  	s3 =	sand.u32 $0x4000, s31;
	s1 =	sadd.s32 s1, s30  }
0xba: {  	s0 =	sor.u32 s3, s0;
	s1 =	sshll.u32 s1, $0x11  }
0xbb: {  	s0 =	sor.u32 s1, s0  }
0xbc: {  	s0 =	sadd.s32 $0x8F2B, s0  }
0xbd: {  	[sflag:s0] =	ssyncadd.remote.s32 $0x1  }
0xbe: {  	_ =	sfence.sel $0xFFFF  }
0xbf: {  	[dreg:$0x0] =	wrdreg $0xFFFFFFFF;
	(pc) =	sbr.abs _section_cstart, $3  }
0xc0: {  	[dreg:$0x1] =	wrdreg $0xFFFFFFFF  }
0xc1: {  	_ =	task.clear_ibuf [dreg:s7], $0x2FFFF;
	_ =	strace $0x9FFFFFFF  }
0xc2: {  	(tm) =	ssettm $0x7FFFFFFF  }
0xc3: {  	_ =	shalt  }
tec
execute0_lowered:
.L_overlay_start_1:
0x0: {  	(tag) =	ssettag $0x1  }
0x1: {  	s0 =	srdreg.scid;
	s2 =	stileid.u32;
	v0 =	vlaneseq.u32  }
0x2: {  	s1 =	rddreg [dreg:$0x0];
	s21 =	simm.s32 $0x13;
	s22 =	simm.s32 $0x14;
	v0 =	vmul.u32 $0x88, v0  }
0x3: {  	v1 =	vimm.s32 $0x0;
	vm0 =	vcmask $0x300;
	s23 =	simm.s32 $0x15;
	s24 =	simm.s32 $0xF;
	s25 =	simm.s32 $0x10  }
0x4: {  	s28 =	simm.s32 $0x12;
	s0 =	sand.u32 $0x1, s0;
	s3 =	sshll.u32 s2, $0x1;
	v1 =	vsel vm0, $0x3, v1;
	v2 =	vadd.s32 $0x880, v0  }
0x5: {  	s29 =	simm.s32 $0x0;
	s2 =	rddreg [dreg:$0x1];
	s6 =	sor.u32 s0, s3;
	v3 =	vadd.s32 $0x1100, v0;
	v4 =	vadd.s32 $0x1980, v0;
	v5 =	vor.u32 $0x1, v0  }
0x6: {  	s3 =	simm.s32 $0x0;
	s0 =	ssub.s32 $0x2, s0;
	s4 =	smul.u32 $0x6400, s6;
	v6 =	vadd.s32 $0x881, v0;
	v7 =	vadd.s32 $0x1101, v0;
	v8 =	vadd.s32 $0x1981, v0  }
0x7: {  	[smem:$0x7FF] =	sst s3;
	s5 =	sshll.u32 s6, $0xA;
	s26 =	sshrl.u32 s0, $0x1;
	v9 =	vor.u32 $0x2, v0;
	v10 =	vadd.s32 $0x882, v0;
	v11 =	vadd.s32 $0x1102, v0  }
0x8: {  	s6 =	smul.u32 $0xC8, s6;
	v12 =	vadd.s32 $0x1982, v0;
	v13 =	vor.u32 $0x3, v0;
	v14 =	vadd.s32 $0x883, v0;
	s5 =	sand.u32 $0xC00, s5;
	s7 =	sand.u32 $0xFF000, s4  }
0x9: {  	v15 =	vadd.s32 $0x1103, v0;
	v16 =	vadd.s32 $0x1983, v0;
	v17 =	vor.u32 $0x4, v0;
	_ =	strace $0x8000004A;
	s0 =	ssub.s32 s0, s26;
	s7 =	sor.u32 s5, s7  }
.Ltmp0:
0xa: {  	v18 =	vadd.s32 $0x884, v0;
	v19 =	vadd.s32 $0x1104, v0;
	v20 =	vadd.s32 $0x1984, v0;
	s4 =	sadd.s32 $0xF42E00, s1;
	s7 =	sshrl.u32 s7, $0x3;
	(pc) =	sbr.rel .LBB2_1-.Ltmp0, $4  }
0xb: {  	v21 =	vor.u32 $0x5, v0;
	v22 =	vadd.s32 $0x885, v0;
	v23 =	vadd.s32 $0x1105, v0;
	s26 =	simm.s32 $0x11;
	s14 =	smax.u32 s0, $0x1;
	s7 =	sadd.s32 s4, s7  }
0xc: {  	v24 =	vadd.s32 $0x1985, v0;
	v25 =	vor.u32 $0x6, v0;
	v26 =	vadd.s32 $0x886, v0;
	s5 =	sadd.s32 $0xF5BE00, s1;
	s30 =	sadd.s32 $0x10, s7;
	s31 =	sadd.s32 $0x20, s7  }
0xd: {  	v27 =	vadd.s32 $0x1106, v0;
	v28 =	vadd.s32 $0x1986, v0;
	v29 =	vor.u32 $0x7, v0;
	s10 =	sadd.s32 $0x30, s7;
	s11 =	sadd.s32 $0x40, s7;
	[dreg:$0x3] =	wrdreg s30  }
0xe: {  	v30 =	vadd.s32 $0x887, v0;
	v31 =	vadd.s32 $0x1107, v0;
	v32 =	vadd.s32 $0x1987, v0;
	s12 =	sadd.s32 $0x50, s7;
	s13 =	sadd.s32 $0x60, s7;
	[dreg:$0x4] =	wrdreg s31  }
.LBB2_9:
0xf: {  	_ =	swait.ge [sflag:s21], $0x2000  }
0x10: {  	[sflag:s21] =	ssyncset.done $0x0  }
0x11: {  	[sflag:s21] =	ssyncadd.s32 $0xFFFFE000  }
0x12: {  	_ =	swait.ge [sflag:s22], $0x2000  }
0x13: {  	[sflag:s22] =	ssyncset.done $0x0  }
0x14: {  	[sflag:s22] =	ssyncadd.s32 $0xFFFFE000  }
0x15: {  	_ =	swait.ge [sflag:s23], $0x2000  }
0x16: {  	[sflag:s23] =	ssyncset.done $0x0  }
0x17: {  	[sflag:s23] =	ssyncadd.s32 $0xFFFFE000  }
0x18: {  	_ =	swait.ge [sflag:s24], $0x2000  }
0x19: {  	[sflag:s24] =	ssyncset.done $0x0  }
0x1a: {  	[sflag:s24] =	ssyncadd.s32 $0xFFFFE000  }
0x1b: {  	_ =	swait.ge [sflag:s25], $0x2000  }
0x1c: {  	[sflag:s25] =	ssyncset.done $0x0  }
0x1d: {  	s29 =	sadd.s32 $0x1, s29;
	[sflag:s25] =	ssyncadd.s32 $0xFFFFE000  }
0x1e: {  	p0 =	sne.s32 s29, s14;
	_ =	swait.ge [sflag:s26], $0x2000  }
.Ltmp1:
0x1f: {  	[sflag:s26] =	ssyncset.done $0x0;
	(pc) =	sbr.rel @!p0 .LBB2_10-.Ltmp1, $4  }
0x20: {  	[sflag:s26] =	ssyncadd.s32 $0xFFFFE000  }
0x21: {  	_ =	swait.ge [sflag:s28], $0x2000  }
0x22: {  	[sflag:s28] =	ssyncset.done $0x0  }
0x23: {  	[sflag:s28] =	ssyncadd.s32 $0xFFFFE000  }
.LBB2_1:
0x24: {  	[tilespmem:s3], [sflag:$0x1] =	stream.linear.gather [hbm4b:s7+s3], $0x80, $0x38;
	[tilespmem:$0x1D180] =	vst v63  }
0x25: {  	s0 =	rddreg [dreg:$0x3];
	s1 =	simm.s32 $0x80  }
0x26: {  	[tilespmem:s1], [sflag:$0x2] =	stream.linear.gather [hbm4b:s0+s3], $0x80, $0x38;
	[tilespmem:$0x1D180] =	vst v63  }
0x27: {  	s15 =	rddreg [dreg:$0x4];
	s16 =	simm.s32 $0x100  }
0x28: {  	[tilespmem:s16], [sflag:$0x3] =	stream.linear.gather [hbm4b:s15+s3], $0x80, $0x38;
	[tilespmem:$0x1D180] =	vst v63  }
0x29: {  	s17 =	simm.s32 $0x180  }
0x2a: {  	[tilespmem:s17], [sflag:$0x4] =	stream.linear.gather [hbm4b:s10+s3], $0x80, $0x38;
	[tilespmem:$0x1D180] =	vst v63  }
0x2b: {  	s18 =	simm.s32 $0x200  }
0x2c: {  	[tilespmem:s18], [sflag:$0x5] =	stream.linear.gather [hbm4b:s11+s3], $0x80, $0x38;
	[tilespmem:$0x1D180] =	vst v63  }
.Ltmp2:
0x2d: {  	_ = 	snop;
	(pc) =	sbr.rel .LBB2_2-.Ltmp2, $4  }
0x2e: {  	s19 =	simm.s32 $0x280  }
0x2f: {  	[tilespmem:s19], [sflag:$0x6] =	stream.linear.gather [hbm4b:s12+s3], $0x80, $0x38;
	[tilespmem:$0x1D180] =	vst v63  }
0x30: {  	s20 =	simm.s32 $0x300;
	s30 =	simm.s32 $0xFB;
	s31 =	simm.s32 $0x0  }
0x31: {  	[tilespmem:s20], [sflag:$0x7] =	stream.linear.gather [hbm4b:s13+s3], $0x80, $0x38;
	[tilespmem:$0x1D180] =	vst v63  }
.LBB2_8:
0x32: {  	s31 =	sadd.s32 $0x1, s31  }
0x33: {  	p0 =	sne.s32 s31, $0xCD  }
.Ltmp3:
0x34: {  	_ = 	snop;
	(pc) =	sbr.rel @!p0 .LBB2_9-.Ltmp3, $2  }
0x35: {  	_ =	sdelay $0x2  }
0x36: {  	s30 =	sadd.s32 $0x1, s30  }
.LBB2_2:
0x37: {  	s0 =	smul.u32 $0x25, s31;
	_ =	sdelay $0x1  }
0x38: {  	s0 =	sshrl.u32 s0, $0x8  }
0x39: {  	s1 =	ssub.s32 s31, s0  }
0x3a: {  	s1 =	sand.u32 $0xFE, s1  }
0x3b: {  	s1 =	sshrl.u32 s1, $0x1  }
0x3c: {  	s0 =	sadd.s32 s0, s1  }
0x3d: {  	s0 =	sand.u32 $0xFC, s0  }
0x3e: {  	s0 =	sshrl.u32 s0, $0x2  }
0x3f: {  	s0 =	smul.u32 $0x7, s0  }
0x40: {  	p0 =	sgt.u32 s31, $0xC7  }
0x41: {  	p1 =	slt.u32 @!p0 s31, $0x7;
	s0 =	ssub.s32 s31, s0  }
0x42: {  	p1 =	por p1, p0;
	s0 =	sand.u32 $0xFF, s0  }
0x43: {  	s1 =	sadd.s32 @!p1 $0xF, s0  }
0x44: {  	_ =	swait.ge @!p1 [sflag:s1], $0x2000  }
0x45: {  	[sflag:s1] =	ssyncset.done @!p1 $0x0  }
0x46: {  	[sflag:s1] =	ssyncadd.s32 @!p1 $0xFFFFE000;
	s1 =	sadd.s32 @!p0 $0x1, s0  }
0x47: {  	_ =	swait.ge @!p0 [sflag:s1], $0x80  }
0x48: {  	s15 =	simm.s32 @!p0 $0x80;
	[sflag:s1] =	ssyncset.done @!p0 $0x0  }
0x49: {  	s8 =	sshll.u32 @!p0 s0, $0xD;
	p1 =	slt.u32 @!p0 s31, $0x5;
	[sflag:s1] =	ssyncadd.s32 @!p0 $0xFFFFFF80  }
0x4a: {  	s1 =	sor.u32 @!p0 $0x380, s8;
	s8 =	sshll.u32 @!p0 s0, $0x7;
	s0 =	sadd.s32 @!p0 $0x8, s0  }
0x4b: {  	[tilespmem:s1], [sflag:s0] =	stream.indirect.gather @!p0 [hbm4b:s5+s15], $0x40, s8, s15, $0xb8;
	[tilespmem:$0x1D180] =	vst v63  }
0x4c: {  	p0 =	por p0, !p1  }
.Ltmp4:
0x4d: {  	_ = 	snop;
	(pc) =	sbr.rel @!p0 .LBB2_8-.Ltmp4, $1  }
0x4e: {  	_ =	sdelay $0x3  }
0x4f: {  	s0 =	sadd.s32 $0xFFFFFFFB, s31  }
0x50: {  	s1 =	sand.u32 $0xFF, s0  }
0x51: {  	s1 =	smul.u32 $0x25, s1;
	_ =	sdelay $0x1  }
0x52: {  	s1 =	sshrl.u32 s1, $0x8  }
0x53: {  	s8 =	ssub.s32 s0, s1  }
0x54: {  	s8 =	sand.u32 $0xFE, s8  }
0x55: {  	s8 =	sshrl.u32 s8, $0x1  }
0x56: {  	s1 =	sadd.s32 s1, s8  }
0x57: {  	s18 =	sand.u32 $0xFF, s30;
	s19 =	simm.s32 $0x0;
	s1 =	sshrl.u32 s1, $0x2  }
0x58: {  	s20 =	simm.s32 $0x1;
	s15 =	simm.s32 $0x2;
	s1 =	smul.u32 $0x7, s1  }
0x59: {  	s9 =	simm.s32 $0x3;
	s17 =	simm.s32 $0x7;
	s16 =	smulhi.u32 $0x24924925, s18;
	v33 =	vmov s19;
	v34 =	vmov s20;
	v35 =	vmov s15  }
0x5a: {  	s20 =	simm.s32 $0x4;
	v36 =	vmov s9;
	v38 =	vmov s17;
	s17 =	simm.s32 $0x6;
	v33 =	vshrl.u32 v33, $0x3;
	s1 =	ssub.s32 s0, s1  }
0x5b: {  	v37 =	vmov s20;
	v38 =	vshrl.u32 v38, $0x3;
	v40 =	vmov s17;
	s19 =	smul.u32 $0x38000, s16;
	s1 =	sand.u32 $0xFF, s1  }
0x5c: {  	s9 =	sshll.u32 s18, $0xF;
	v34 =	vshrl.u32 v34, $0x3;
	v35 =	vshrl.u32 v35, $0x3;
	v36 =	vshrl.u32 v36, $0x3;
	s20 =	sor.u32 $0x8, s1  }
0x5d: {  	v33 =	vshll.u32 v33, v1;
	v38 =	vshll.u32 v38, v1;
	v37 =	vshrl.u32 v37, $0x3;
	s15 =	ssub.s32 s9, s19;
	_ =	swait.ge [sflag:s20], $0x2000  }
0x5e: {  	v34 =	vshll.u32 v34, v1;
	v51 =	vshll.u32 v35, v1;
	v38 =	vbroadcast v38, $0x0;
	s19 =	sshra.s32 s15, $0x2;
	[sflag:s20] =	ssyncset.done $0x0  }
0x5f: {  	v52 =	vshll.u32 v36, v1;
	v40 =	vshrl.u32 v40, $0x3;
	v33 =	vbroadcast v33, $0x0;
	s17 =	sor.u32 $0x480, s19;
	[sflag:s20] =	ssyncadd.s32 $0xFFFFE000  }
0x60: {  	v47 =	vbroadcast v34, $0x0;
	v53 =	vbroadcast v51, $0x0;
	v42 =	vadd.s32 v29, v38;
	s8 =	simm.s32 $0x5;
	v41 =	vld [tilespmem:s17+$0xC0]  }
0x61: {  	v34 =	vbroadcast v52, $0x0;
	v44 =	vadd.s32 v0, v33;
	v39 =	vmov s8;
	s20 =	smul.u32 $0x8800, s1;
	v43 =	vld [tilespmem:s17+$0xFFFFFF00]  }
0x62: {  	v54 =	vshll.u32 v37, v1;
	v46 =	vadd.s32 v5, v47;
	v55 =	vshrl.u32 v39, $0x3;
	v45 =	vld [tilespmem:s17+$0xFFFFFF40]  }
0x63: {  	v35 =	vbroadcast v54, $0x0;
	v49 =	vadd.s32 v9, v53;
	v36 =	vshll.u32 v55, v1;
	v48 =	vld [tilespmem:s17+$0xFFFFFF80];
	s8 =	sshrl.u32 s20, $0x2  }
0x64: {  	v56 =	vshll.u32 v40, v1;
	v50 =	vadd.s32 v13, v34;
	v37 =	vbroadcast v36, $0x0;
	v39 =	vld [tilespmem:s17+$0xFFFFFFC0];
	s15 =	sadd.s32 $0xE380, s8  }
0x65: {  	v52 =	vadd.s32 v17, v35;
	v36 =	vbroadcast v56, $0x0;
	v51 =	vld [tilespmem:s17+$0x0];
	[tilespmem:v42+s15+$0x0] =	vst.idx.msk $0xffff, v41  }
0x66: {  	v60 =	vadd.s32 v21, v37;
	v59 =	vld [tilespmem:s17+$0x40];
	[tilespmem:v44+s15+$0x0] =	vst.idx.msk $0xffff, v43  }
0x67: {  	v62 =	vadd.s32 v25, v36;
	v61 =	vld [tilespmem:s17+$0x80];
	[tilespmem:v46+s15+$0x0] =	vst.idx.msk $0xffff, v45  }
0x68: {  	v58 =	vadd.s32 v30, v38;
	[tilespmem:v49+s15+$0x0] =	vst.idx.msk $0xffff, v48;
	v57 =	vld [tilespmem:s17+$0xD0]  }
0x69: {  	v63 =	vadd.s32 v6, v47;
	[tilespmem:v50+s15+$0x0] =	vst.idx.msk $0xffff, v39;
	v46 =	vld [tilespmem:s17+$0xFFFFFF50]  }
0x6a: {  	v55 =	vadd.s32 v10, v53;
	[tilespmem:v52+s15+$0x0] =	vst.idx.msk $0xffff, v51;
	v54 =	vld [tilespmem:s17+$0xFFFFFF90]  }
0x6b: {  	v56 =	vadd.s32 v14, v34;
	[tilespmem:v60+s15+$0x0] =	vst.idx.msk $0xffff, v59;
	v50 =	vld [tilespmem:s17+$0xFFFFFFD0]  }
0x6c: {  	[tilespmem:v62+s15+$0x0] =	vst.idx.msk $0xffff, v61;
	v45 =	vadd.s32 v22, v37;
	v44 =	vld [tilespmem:s17+$0x50]  }
0x6d: {  	v59 =	vadd.s32 v18, v35;
	[tilespmem:v58+s15+$0x0] =	vst.idx.msk $0xffff, v57;
	v58 =	vld [tilespmem:s17+$0x10]  }
0x6e: {  	v57 =	vadd.s32 v31, v38;
	[tilespmem:v63+s15+$0x0] =	vst.idx.msk $0xffff, v46;
	v40 =	vld [tilespmem:s17+$0xE0]  }
0x6f: {  	v62 =	vadd.s32 v2, v33;
	v61 =	vld [tilespmem:s17+$0xFFFFFF10];
	[tilespmem:v55+s15+$0x0] =	vst.idx.msk $0xffff, v54  }
0x70: {  	v60 =	vadd.s32 v26, v36;
	v63 =	vld [tilespmem:s17+$0x90];
	[tilespmem:v56+s15+$0x0] =	vst.idx.msk $0xffff, v50  }
0x71: {  	v51 =	vadd.s32 v7, v47;
	[tilespmem:v45+s15+$0x0] =	vst.idx.msk $0xffff, v44;
	v50 =	vld [tilespmem:s17+$0xFFFFFF60]  }
0x72: {  	v56 =	vadd.s32 v11, v53;
	v55 =	vld [tilespmem:s17+$0xFFFFFFA0];
	[tilespmem:v59+s15+$0x0] =	vst.idx.msk $0xffff, v58  }
0x73: {  	v58 =	vadd.s32 v15, v34;
	[tilespmem:v57+s15+$0x0] =	vst.idx.msk $0xffff, v40;
	v57 =	vld [tilespmem:s17+$0xFFFFFFE0]  }
0x74: {  	v38 =	vadd.s32 v32, v38;
	[tilespmem:v62+s15+$0x0] =	vst.idx.msk $0xffff, v61;
	v52 =	vld [tilespmem:s17+$0xF0]  }
0x75: {  	s16 =	smul.u32 $0x3B800, s16;
	[tilespmem:v60+s15+$0x0] =	vst.idx.msk $0xffff, v63;
	v60 =	vadd.s32 v19, v35;
	v59 =	vld [tilespmem:s17+$0x20]  }
0x76: {  	s9 =	simm.s32 $0x8;
	s20 =	simm.s32 $0xA;
	s8 =	smul.u32 $0x8800, s18;
	v41 =	vadd.s32 v23, v37;
	v43 =	vadd.s32 v27, v36;
	[tilespmem:v51+s15+$0x0] =	vst.idx.msk $0xffff, v50;
	v40 =	vld [tilespmem:s17+$0x60]  }
0x77: {  	s18 =	simm.s32 $0xC;
	v48 =	vadd.s32 v3, v33;
	v54 =	vmov s20;
	v63 =	vmov s9;
	v42 =	vld [tilespmem:s17+$0xA0];
	[tilespmem:v56+s15+$0x0] =	vst.idx.msk $0xffff, v55  }
0x78: {  	s19 =	simm.s32 $0x9;
	s8 =	ssub.s32 s8, s16;
	v46 =	vmov s18;
	v53 =	vadd.s32 v12, v53;
	v45 =	vld [tilespmem:s17+$0xFFFFFF20];
	s9 =	simm.s32 $0xB;
	v39 =	vshrl.u32 v63, $0x3;
	[tilespmem:v58+s15+$0x0] =	vst.idx.msk $0xffff, v57  }
0x79: {  	s8 =	sshra.s32 s8, $0x2;
	s20 =	simm.s32 $0xE;
	v50 =	vmov s19;
	v44 =	vmov s9;
	s19 =	simm.s32 $0xD;
	v49 =	vld [tilespmem:s17+$0xFFFFFF70];
	[tilespmem:v38+s15+$0x0] =	vst.idx.msk $0xffff, v52;
	v52 =	vadd.s32 v8, v47  }
0x7a: {  	s16 =	sadd.s32 $0xE380, s8;
	s18 =	simm.s32 $0x10;
	v51 =	vld [tilespmem:s17+$0xFFFFFFB0];
	[tilespmem:v60+s15+$0x0] =	vst.idx.msk $0xffff, v59;
	v38 =	vmov s19;
	v47 =	vshll.u32 v39, v1;
	v39 =	vmov s20;
	s19 =	simm.s32 $0xF  }
.LBB2_4:
0x7b: {  	p0 =	slt.u32 s18, $0x78;
	v50 =	vshrl.u32 v50, $0x3;
	v55 =	vmov s19;
	v56 =	vld [tilespmem:s17+$0xFFFFFFF0];
	v34 =	vadd.s32 v16, v34;
	[tilespmem:v41+s15+$0x0] =	vst.idx.msk $0xffff, v40  }
0x7c: {  	v40 =	vshrl.u32 v54, $0x3;
	v35 =	vadd.s32 v20, v35;
	v41 =	vshrl.u32 v55, $0x3;
	v54 =	vld [tilespmem:s17+$0x30];
	[tilespmem:v43+s15+$0x0] =	vst.idx.msk $0xffff, v42  }
0x7d: {  	v37 =	vadd.s32 v24, v37;
	v42 =	vshrl.u32 v44, $0x3;
	v41 =	vshll.u32 v41, v1;
	[tilespmem:v48+s15+$0x0] =	vst.idx.msk $0xffff, v45;
	v43 =	vld [tilespmem:s17+$0x70]  }
0x7e: {  	v36 =	vadd.s32 v28, v36;
	v44 =	vshrl.u32 v46, $0x3;
	v41 =	vbroadcast v41, $0x0;
	[tilespmem:v52+s15+$0x0] =	vst.idx.msk $0xffff, v49;
	v45 =	vld [tilespmem:s17+$0xB0]  }
0x7f: {  	v46 =	vshll.u32 v50, v1;
	v49 =	vadd.s32 v4, v33;
	v33 =	vbroadcast v47, $0x0;
	v48 =	vld [tilespmem:s17+$0xFFFFFF30];
	[tilespmem:v53+s15+$0x0] =	vst.idx.msk $0xffff, v51;
	s17 =	sadd.s32 $0x200, s17  }
0x80: {  	v40 =	vshll.u32 v40, v1;
	v47 =	vbroadcast v46, $0x0;
	v46 =	vld [tilespmem:s17+$0xC0];
	v50 =	vadd.s32 v29, v41;
	[tilespmem:v34+s15+$0x0] =	vst.idx.msk $0xffff, v56  }
0x81: {  	v53 =	vbroadcast v40, $0x0;
	v52 =	vadd.s32 v0, v33;
	v34 =	vshll.u32 v42, v1;
	v51 =	vld [tilespmem:s17+$0xFFFFFF00];
	[tilespmem:v35+s15+$0x0] =	vst.idx.msk $0xffff, v54  }
0x82: {  	v42 =	vadd.s32 v5, v47;
	v34 =	vbroadcast v34, $0x0;
	v35 =	vshll.u32 v44, v1;
	v40 =	vld [tilespmem:s17+$0xFFFFFF40];
	[tilespmem:v37+s15+$0x0] =	vst.idx.msk $0xffff, v43  }
0x83: {  	v44 =	vadd.s32 v9, v53;
	v35 =	vbroadcast v35, $0x0;
	v37 =	vshrl.u32 v38, $0x3;
	v43 =	vld [tilespmem:s17+$0xFFFFFF80];
	[tilespmem:v36+s15+$0x0] =	vst.idx.msk $0xffff, v45  }
0x84: {  	v39 =	vshrl.u32 v39, $0x3;
	v45 =	vadd.s32 v13, v34;
	v36 =	vshll.u32 v37, v1;
	v38 =	vld [tilespmem:s17+$0xFFFFFFC0];
	[tilespmem:v49+s15+$0x0] =	vst.idx.msk $0xffff, v48  }
0x85: {  	v49 =	vadd.s32 v17, v35;
	v37 =	vbroadcast v36, $0x0;
	v36 =	vshll.u32 v39, v1;
	v48 =	vld [tilespmem:s17+$0x0];
	[tilespmem:v50+s15+$0x0] =	vst.idx.msk $0xffff, v46  }
0x86: {  	v36 =	vbroadcast v36, $0x0;
	v46 =	vadd.s32 v30, v41;
	[tilespmem:v52+s15+$0x0] =	vst.idx.msk $0xffff, v51;
	v39 =	vld [tilespmem:s17+$0xD0]  }
0x87: {  	[tilespmem:v42+s15+$0x0] =	vst.idx.msk $0xffff, v40;
	v40 =	vld [tilespmem:s17+$0x40];
	v42 =	vadd.s32 v21, v37  }
0x88: {  	[tilespmem:v44+s15+$0x0] =	vst.idx.msk $0xffff, v43;
	v43 =	vld [tilespmem:s17+$0x80];
	v44 =	vadd.s32 v25, v36  }
0x89: {  	v51 =	vadd.s32 v6, v47;
	v50 =	vld [tilespmem:s17+$0xFFFFFF50];
	[tilespmem:v45+s15+$0x0] =	vst.idx.msk $0xffff, v38  }
0x8a: {  	v45 =	vadd.s32 v10, v53;
	v38 =	vld [tilespmem:s17+$0xFFFFFF90];
	[tilespmem:v49+s15+$0x0] =	vst.idx.msk $0xffff, v48  }
0x8b: {  	v49 =	vadd.s32 v14, v34;
	v48 =	vld [tilespmem:s17+$0xFFFFFFD0];
	[tilespmem:v46+s15+$0x0] =	vst.idx.msk $0xffff, v39  }
0x8c: {  	[tilespmem:v42+s15+$0x0] =	vst.idx.msk $0xffff, v40;
	v39 =	vld [tilespmem:s17+$0xE0];
	v40 =	vadd.s32 v31, v41  }
0x8d: {  	v46 =	vadd.s32 v18, v35;
	v42 =	vld [tilespmem:s17+$0x10];
	[tilespmem:v44+s15+$0x0] =	vst.idx.msk $0xffff, v43  }
0x8e: {  	v44 =	vadd.s32 v22, v37;
	[tilespmem:v51+s15+$0x0] =	vst.idx.msk $0xffff, v50;
	v43 =	vld [tilespmem:s17+$0x50]  }
0x8f: {  	[tilespmem:v45+s15+$0x0] =	vst.idx.msk $0xffff, v38;
	v38 =	vld [tilespmem:s17+$0x90];
	v45 =	vadd.s32 v26, v36  }
0x90: {  	v51 =	vadd.s32 v2, v33;
	v50 =	vld [tilespmem:s17+$0xFFFFFF10];
	[tilespmem:v49+s15+$0x0] =	vst.idx.msk $0xffff, v48  }
0x91: {  	v49 =	vadd.s32 v7, v47;
	v48 =	vld [tilespmem:s17+$0xFFFFFF60];
	[tilespmem:v40+s15+$0x0] =	vst.idx.msk $0xffff, v39  }
0x92: {  	[tilespmem:v46+s15+$0x0] =	vst.idx.msk $0xffff, v42;
	v39 =	vld [tilespmem:s17+$0xF0];
	v46 =	vadd.s32 v32, v41  }
0x93: {  	v55 =	vadd.s32 v11, v53;
	v52 =	vld [tilespmem:s17+$0xFFFFFFA0];
	[tilespmem:v44+s15+$0x0] =	vst.idx.msk $0xffff, v43  }
0x94: {  	v57 =	vadd.s32 v15, v34;
	v56 =	vld [tilespmem:s17+$0xFFFFFFE0];
	[tilespmem:v45+s15+$0x0] =	vst.idx.msk $0xffff, v38  }
0x95: {  	v59 =	vadd.s32 v19, v35;
	[tilespmem:v51+s15+$0x0] =	vst.idx.msk $0xffff, v50;
	v58 =	vld [tilespmem:s17+$0x20]  }
.Ltmp5:
0x96: {  	s8 =	sadd.s32 $0x1, s18;
	v41 =	vadd.s32 v23, v37;
	v38 =	vmov s18;
	[tilespmem:v49+s15+$0x0] =	vst.idx.msk $0xffff, v48;
	v40 =	vld [tilespmem:s17+$0x60];
	(pc) =	sbr.rel @p0 .LBB2_4-.Ltmp5, $4  }
0x97: {  	s19 =	sadd.s32 $0x3, s18;
	v43 =	vadd.s32 v27, v36;
	v51 =	vshrl.u32 v38, $0x3;
	v50 =	vmov s8;
	s8 =	sadd.s32 $0x2, s18;
	v42 =	vld [tilespmem:s17+$0xA0];
	[tilespmem:v46+s15+$0x0] =	vst.idx.msk $0xffff, v39  }
0x98: {  	v44 =	vmov s19;
	s19 =	sadd.s32 $0x5, s18;
	v54 =	vmov s8;
	s8 =	sadd.s32 $0x4, s18;
	v48 =	vadd.s32 v3, v33;
	v45 =	vld [tilespmem:s17+$0xFFFFFF20];
	[tilespmem:v55+s15+$0x0] =	vst.idx.msk $0xffff, v52  }
0x99: {  	v38 =	vmov s19;
	v46 =	vmov s8;
	s8 =	sadd.s32 $0x6, s18;
	v52 =	vadd.s32 v8, v47;
	v49 =	vld [tilespmem:s17+$0xFFFFFF70];
	[tilespmem:v57+s15+$0x0] =	vst.idx.msk $0xffff, v56  }
0x9a: {  	v53 =	vadd.s32 v12, v53;
	s19 =	sadd.s32 $0x7, s18;
	s18 =	sadd.s32 $0x8, s18;
	v47 =	vshll.u32 v51, v1;
	v39 =	vmov s8;
	v51 =	vld [tilespmem:s17+$0xFFFFFFB0];
	[tilespmem:v59+s15+$0x0] =	vst.idx.msk $0xffff, v58  }
0x9b: {  	_ =	sdelay $0x2  }
0x9c: {  	v50 =	vshrl.u32 v50, $0x3  }
0x9d: {  	v55 =	vmov s19;
	v56 =	vld [tilespmem:s17+$0xFFFFFFF0];
	v34 =	vadd.s32 v16, v34;
	[tilespmem:v41+s15+$0x0] =	vst.idx.msk $0xffff, v40;
	v57 =	vshrl.u32 v54, $0x3  }
0x9e: {  	v59 =	vld [tilespmem:s17+$0x30];
	v35 =	vadd.s32 v20, v35;
	v60 =	vshrl.u32 v44, $0x3;
	v58 =	vshrl.u32 v55, $0x3;
	[tilespmem:v43+s15+$0x0] =	vst.idx.msk $0xffff, v42  }
0x9f: {  	v37 =	vadd.s32 v24, v37;
	v62 =	vshrl.u32 v46, $0x3;
	v61 =	vld [tilespmem:s17+$0x70];
	v41 =	vshll.u32 v58, v1;
	[tilespmem:v48+s15+$0x0] =	vst.idx.msk $0xffff, v45  }
0xa0: {  	v36 =	vadd.s32 v28, v36;
	v46 =	vbroadcast v47, $0x0;
	v63 =	vld [tilespmem:s17+$0xB0];
	v41 =	vbroadcast v41, $0x0;
	[tilespmem:v52+s15+$0x0] =	vst.idx.msk $0xffff, v49  }
0xa1: {  	v33 =	vadd.s32 v4, v33;
	s9 =	sadd.s32 $0x200, s17;
	v38 =	vshrl.u32 v38, $0x3;
	v55 =	vshll.u32 v50, v1;
	v48 =	vld [tilespmem:s17+$0xFFFFFF30];
	[tilespmem:v53+s15+$0x0] =	vst.idx.msk $0xffff, v51  }
0xa2: {  	v40 =	vshll.u32 v57, v1;
	v47 =	vbroadcast v55, $0x0;
	v49 =	vld [tilespmem:s9+$0xC0];
	v50 =	vadd.s32 v29, v41;
	[tilespmem:v34+s15+$0x0] =	vst.idx.msk $0xffff, v56  }
0xa3: {  	v42 =	vshll.u32 v60, v1;
	v40 =	vbroadcast v40, $0x0;
	v34 =	vld [tilespmem:s9+$0xFFFFFF00];
	v56 =	vadd.s32 v0, v46;
	[tilespmem:v35+s15+$0x0] =	vst.idx.msk $0xffff, v59  }
0xa4: {  	v57 =	vld [tilespmem:s9+$0xFFFFFF40];
	v44 =	vshll.u32 v62, v1;
	v42 =	vbroadcast v42, $0x0;
	v58 =	vadd.s32 v5, v47;
	[tilespmem:v37+s15+$0x0] =	vst.idx.msk $0xffff, v61  }
0xa5: {  	v38 =	vshll.u32 v38, v1;
	v44 =	vbroadcast v44, $0x0;
	v60 =	vadd.s32 v9, v40;
	v59 =	vld [tilespmem:s9+$0xFFFFFF80];
	[tilespmem:v36+s15+$0x0] =	vst.idx.msk $0xffff, v63  }
0xa6: {  	v38 =	vbroadcast v38, $0x0;
	v62 =	vadd.s32 v13, v42;
	v61 =	vld [tilespmem:s9+$0xFFFFFFC0];
	[tilespmem:v33+s15+$0x0] =	vst.idx.msk $0xffff, v48  }
0xa7: {  	v39 =	vshrl.u32 v39, $0x3;
	v63 =	vadd.s32 v17, v44;
	v33 =	vld [tilespmem:s9+$0x0];
	[tilespmem:v50+s15+$0x0] =	vst.idx.msk $0xffff, v49  }
0xa8: {  	v39 =	vshll.u32 v39, v1;
	v35 =	vld [tilespmem:s9+$0x40];
	[tilespmem:v56+s15+$0x0] =	vst.idx.msk $0xffff, v34;
	v56 =	vadd.s32 v21, v38  }
0xa9: {  	[tilespmem:v58+s15+$0x0] =	vst.idx.msk $0xffff, v57;
	v34 =	vbroadcast v39, $0x0;
	v49 =	vadd.s32 v30, v41;
	v39 =	vld [tilespmem:s9+$0xD0]  }
0xaa: {  	[tilespmem:v60+s15+$0x0] =	vst.idx.msk $0xffff, v59;
	v59 =	vld [tilespmem:s9+$0xFFFFFF50];
	v60 =	vadd.s32 v6, v47  }
0xab: {  	v57 =	vld [tilespmem:s9+$0x80];
	[tilespmem:v62+s15+$0x0] =	vst.idx.msk $0xffff, v61;
	v58 =	vadd.s32 v25, v34  }
0xac: {  	v61 =	vld [tilespmem:s9+$0xFFFFFF90];
	v62 =	vadd.s32 v10, v40;
	[tilespmem:v63+s15+$0x0] =	vst.idx.msk $0xffff, v33  }
0xad: {  	v33 =	vld [tilespmem:s9+$0xFFFFFFD0];
	v63 =	vadd.s32 v14, v42;
	[tilespmem:v56+s15+$0x0] =	vst.idx.msk $0xffff, v35  }
0xae: {  	v56 =	vadd.s32 v18, v44;
	[tilespmem:v49+s15+$0x0] =	vst.idx.msk $0xffff, v39;
	v49 =	vld [tilespmem:s9+$0x10]  }
0xaf: {  	[tilespmem:v60+s15+$0x0] =	vst.idx.msk $0xffff, v59;
	v39 =	vadd.s32 v31, v41;
	v35 =	vld [tilespmem:s9+$0xE0]  }
0xb0: {  	[tilespmem:v58+s15+$0x0] =	vst.idx.msk $0xffff, v57;
	v57 =	vld [tilespmem:s9+$0x50];
	v58 =	vadd.s32 v22, v38  }
0xb1: {  	[tilespmem:v62+s15+$0x0] =	vst.idx.msk $0xffff, v61;
	v61 =	vld [tilespmem:s9+$0xFFFFFF10];
	v62 =	vadd.s32 v2, v46  }
0xb2: {  	v60 =	vadd.s32 v26, v34;
	v59 =	vld [tilespmem:s9+$0x90];
	[tilespmem:v63+s15+$0x0] =	vst.idx.msk $0xffff, v33  }
0xb3: {  	v55 =	vadd.s32 v11, v40;
	v54 =	vadd.s32 v32, v41;
	v41 =	vld [tilespmem:s9+$0xFFFFFFA0];
	[tilespmem:v56+s15+$0x0] =	vst.idx.msk $0xffff, v49  }
0xb4: {  	v53 =	vadd.s32 v7, v47;
	v63 =	vld [tilespmem:s9+$0xFFFFFF60];
	[tilespmem:v39+s15+$0x0] =	vst.idx.msk $0xffff, v35  }
0xb5: {  	v56 =	vld [tilespmem:s9+$0xFFFFFFE0];
	[tilespmem:v58+s15+$0x0] =	vst.idx.msk $0xffff, v57;
	v57 =	vadd.s32 v15, v42  }
0xb6: {  	[tilespmem:v62+s15+$0x0] =	vst.idx.msk $0xffff, v61;
	v35 =	vld [tilespmem:s9+$0xF0]  }
0xb7: {  	v58 =	vld [tilespmem:s9+$0x20];
	[tilespmem:v60+s15+$0x0] =	vst.idx.msk $0xffff, v59;
	v59 =	vadd.s32 v19, v44  }
0xb8: {  	v61 =	vadd.s32 v23, v38;
	[tilespmem:v55+s15+$0x0] =	vst.idx.msk $0xffff, v41;
	v60 =	vld [tilespmem:s9+$0x60]  }
0xb9: {  	[tilespmem:v53+s15+$0x0] =	vst.idx.msk $0xffff, v63;
	v63 =	vadd.s32 v27, v34;
	v62 =	vld [tilespmem:s9+$0xA0]  }
0xba: {  	v47 =	vadd.s32 v8, v47;
	v55 =	vld [tilespmem:s9+$0xFFFFFF70];
	[tilespmem:v57+s15+$0x0] =	vst.idx.msk $0xffff, v56  }
0xbb: {  	v53 =	vld [tilespmem:s9+$0xFFFFFF20];
	[tilespmem:v54+s15+$0x0] =	vst.idx.msk $0xffff, v35;
	v54 =	vadd.s32 v3, v46  }
0xbc: {  	s0 =	sadd.s32 s6, s0;
	v40 =	vadd.s32 v12, v40;
	v56 =	vld [tilespmem:s9+$0xFFFFFFB0];
	[tilespmem:v59+s15+$0x0] =	vst.idx.msk $0xffff, v58  }
0xbd: {  	s8 =	sand.u32 $0x1F, s0;
	v42 =	vadd.s32 v16, v42;
	v57 =	vld [tilespmem:s9+$0xFFFFFFF0];
	[tilespmem:v61+s15+$0x0] =	vst.idx.msk $0xffff, v60  }
0xbe: {  	p0 =	slt.s32 s0, $0x1;
	p1 =	sne.s32 s8, $0x0;
	v59 =	vadd.s32 v20, v44;
	v58 =	vld [tilespmem:s9+$0x30];
	[tilespmem:v63+s15+$0x0] =	vst.idx.msk $0xffff, v62  }
0xbf: {  	p0 =	por !p0, !p1;
	v38 =	vadd.s32 v24, v38;
	v60 =	vld [tilespmem:s9+$0x70];
	[tilespmem:v47+s15+$0x0] =	vst.idx.msk $0xffff, v55  }
0xc0: {  	s18 =	simm.s32 $0x1;
	p0 =	por !p0, !p0;
	v34 =	vadd.s32 v28, v34;
	v61 =	vld [tilespmem:s9+$0xB0];
	[tilespmem:v54+s15+$0x0] =	vst.idx.msk $0xffff, v53  }
0xc1: {  	s19 =	sshrl.u32 s0, $0x5;
	s18 =	simm.s32 @!p0 $0x0;
	v63 =	vadd.s32 v4, v46;
	[tilespmem:v40+s15+$0x0] =	vst.idx.msk $0xffff, v56;
	v62 =	vld [tilespmem:s9+$0xFFFFFF30]  }
0xc2: {  	s17 =	ssub.s32 s19, s18;
	[tilespmem:v42+s15+$0x0] =	vst.idx.msk $0xffff, v57  }
0xc3: {  	s8 =	sshll.u32 s8, $0xA;
	s17 =	sshll.u32 s17, $0x12;
	[tilespmem:v59+s15+$0x0] =	vst.idx.msk $0xffff, v58  }
0xc4: {  	s8 =	sor.u32 s8, s17;
	[tilespmem:v38+s15+$0x0] =	vst.idx.msk $0xffff, v60  }
0xc5: {  	s8 =	sshrl.u32 s8, $0x3;
	[tilespmem:v34+s15+$0x0] =	vst.idx.msk $0xffff, v61  }
0xc6: {  	s17 =	sadd.s32 s2, s8;
	s8 =	sadd.s32 $0x0, s16;
	[tilespmem:v63+s15+$0x0] =	vst.idx.msk $0xffff, v62;
	s15 =	sadd.s32 $0xF, s1  }
0xc7: {  	[hbm4b:s17+s3] =	stream.linear.scatter [tilespmem:s8], [sflag:s15], $0x80, $0x38;
	[tilespmem:$0x1D180] =	vst v63  }
0xc8: {  	s20 =	sadd.s32 $0x88, s8;
	s9 =	sadd.s32 $0x10, s17  }
0xc9: {  	[hbm4b:s9+s3] =	stream.linear.scatter [tilespmem:s20], [sflag:s15], $0x80, $0x38;
	[tilespmem:$0x1D180] =	vst v63  }
0xca: {  	s20 =	sadd.s32 $0x110, s8;
	s9 =	sadd.s32 $0x20, s17  }
0xcb: {  	[hbm4b:s9+s3] =	stream.linear.scatter [tilespmem:s20], [sflag:s15], $0x80, $0x38;
	[tilespmem:$0x1D180] =	vst v63  }
0xcc: {  	s20 =	sadd.s32 $0x198, s8;
	s9 =	sadd.s32 $0x30, s17  }
0xcd: {  	[hbm4b:s9+s3] =	stream.linear.scatter [tilespmem:s20], [sflag:s15], $0x80, $0x38;
	[tilespmem:$0x1D180] =	vst v63  }
0xce: {  	s20 =	sadd.s32 $0x220, s8;
	s9 =	sadd.s32 $0x40, s17  }
0xcf: {  	[hbm4b:s9+s3] =	stream.linear.scatter [tilespmem:s20], [sflag:s15], $0x80, $0x38;
	[tilespmem:$0x1D180] =	vst v63  }
0xd0: {  	s20 =	sadd.s32 $0x2A8, s8;
	s9 =	sadd.s32 $0x50, s17  }
0xd1: {  	[hbm4b:s9+s3] =	stream.linear.scatter [tilespmem:s20], [sflag:s15], $0x80, $0x38;
	[tilespmem:$0x1D180] =	vst v63  }
0xd2: {  	s19 =	sadd.s32 $0x330, s8;
	s20 =	sadd.s32 $0x60, s17  }
0xd3: {  	[hbm4b:s20+s3] =	stream.linear.scatter [tilespmem:s19], [sflag:s15], $0x80, $0x38;
	[tilespmem:$0x1D180] =	vst v63  }
0xd4: {  	s18 =	simm.s32 $0x440;
	s19 =	simm.s32 $0x2200  }
0xd5: {  	s20 =	sadd.s32 $0x3B8, s8;
	s8 =	sadd.s32 $0x70, s17;
	s17 =	sadd.s32 $0x1000, s17  }
.LBB2_6:
0xd6: {  	[hbm4b:s8+s3] =	stream.linear.scatter [tilespmem:s20], [sflag:s15], $0x80, $0x38;
	[tilespmem:$0x1D180] =	vst v63  }
0xd7: {  	s8 =	smov.u32 s19  }
0xd8: {  	s9 =	sadd.s32 $0x1100, s19;
	s20 =	sadd.s32 s18, s16;
	s18 =	sshra.s32 s8, $0x2  }
0xd9: {  	[hbm4b:s17+s3] =	stream.linear.scatter [tilespmem:s20], [sflag:s15], $0x80, $0x38;
	[tilespmem:$0x1D180] =	vst v63  }
0xda: {  	p0 =	sne.s32 s19, $0x7700;
	s19 =	sadd.s32 $0x10, s17;
	s8 =	sadd.s32 $0x88, s20  }
0xdb: {  	[hbm4b:s19+s3] =	stream.linear.scatter [tilespmem:s8], [sflag:s15], $0x80, $0x38;
	[tilespmem:$0x1D180] =	vst v63  }
0xdc: {  	s8 =	sadd.s32 $0x110, s20;
	s19 =	sadd.s32 $0x20, s17  }
0xdd: {  	[hbm4b:s19+s3] =	stream.linear.scatter [tilespmem:s8], [sflag:s15], $0x80, $0x38;
	[tilespmem:$0x1D180] =	vst v63  }
0xde: {  	s8 =	sadd.s32 $0x198, s20;
	s19 =	sadd.s32 $0x30, s17  }
0xdf: {  	[hbm4b:s19+s3] =	stream.linear.scatter [tilespmem:s8], [sflag:s15], $0x80, $0x38;
	[tilespmem:$0x1D180] =	vst v63  }
0xe0: {  	s8 =	sadd.s32 $0x220, s20;
	s19 =	sadd.s32 $0x40, s17  }
0xe1: {  	[hbm4b:s19+s3] =	stream.linear.scatter [tilespmem:s8], [sflag:s15], $0x80, $0x38;
	[tilespmem:$0x1D180] =	vst v63  }
.Ltmp6:
0xe2: {  	s8 =	sadd.s32 $0x2A8, s20;
	s19 =	sadd.s32 $0x50, s17;
	(pc) =	sbr.rel @p0 .LBB2_6-.Ltmp6, $4  }
0xe3: {  	[hbm4b:s19+s3] =	stream.linear.scatter [tilespmem:s8], [sflag:s15], $0x80, $0x38;
	[tilespmem:$0x1D180] =	vst v63  }
0xe4: {  	s8 =	sadd.s32 $0x330, s20;
	s19 =	sadd.s32 $0x60, s17;
	s20 =	sadd.s32 $0x3B8, s20  }
0xe5: {  	[hbm4b:s19+s3] =	stream.linear.scatter [tilespmem:s8], [sflag:s15], $0x80, $0x38;
	[tilespmem:$0x1D180] =	vst v63  }
0xe6: {  	s8 =	sadd.s32 $0x70, s17;
	s17 =	sadd.s32 $0x1000, s17;
	s19 =	smov.u32 s9  }
0xe7: {  	[hbm4b:s8+s3] =	stream.linear.scatter [tilespmem:s20], [sflag:s15], $0x80, $0x38;
	[tilespmem:$0x1D180] =	vst v63  }
0xe8: {  	s8 =	sadd.s32 s18, s16  }
0xe9: {  	[hbm4b:s17+s3] =	stream.linear.scatter [tilespmem:s8], [sflag:s15], $0x80, $0x38;
	[tilespmem:$0x1D180] =	vst v63  }
0xea: {  	s20 =	sadd.s32 $0x10, s17;
	s9 =	sadd.s32 $0x88, s8  }
0xeb: {  	[hbm4b:s20+s3] =	stream.linear.scatter [tilespmem:s9], [sflag:s15], $0x80, $0x38;
	[tilespmem:$0x1D180] =	vst v63  }
0xec: {  	s18 =	sadd.s32 $0x20, s17;
	s16 =	sadd.s32 $0x110, s8  }
0xed: {  	[hbm4b:s18+s3] =	stream.linear.scatter [tilespmem:s16], [sflag:s15], $0x80, $0x38;
	[tilespmem:$0x1D180] =	vst v63  }
0xee: {  	s19 =	sadd.s32 $0x198, s8;
	s20 =	sadd.s32 $0x30, s17  }
0xef: {  	[hbm4b:s20+s3] =	stream.linear.scatter [tilespmem:s19], [sflag:s15], $0x80, $0x38;
	[tilespmem:$0x1D180] =	vst v63  }
0xf0: {  	p0 =	sgt.u32 s31, $0xC5;
	s16 =	sadd.s32 $0x220, s8;
	s18 =	sadd.s32 $0x40, s17  }
0xf1: {  	[hbm4b:s18+s3] =	stream.linear.scatter [tilespmem:s16], [sflag:s15], $0x80, $0x38;
	[tilespmem:$0x1D180] =	vst v63  }
0xf2: {  	s0 =	sshll.u32 @!p0 s0, $0x7;
	s19 =	sadd.s32 $0x2A8, s8;
	s20 =	sadd.s32 $0x50, s17  }
0xf3: {  	[hbm4b:s20+s3] =	stream.linear.scatter [tilespmem:s19], [sflag:s15], $0x80, $0x38;
	[tilespmem:$0x1D180] =	vst v63  }
0xf4: {  	s0 =	sadd.s32 @!p0 $0x380, s0;
	s18 =	sadd.s32 $0x330, s8;
	s19 =	sadd.s32 $0x60, s17  }
0xf5: {  	[hbm4b:s19+s3] =	stream.linear.scatter [tilespmem:s18], [sflag:s15], $0x80, $0x38;
	[tilespmem:$0x1D180] =	vst v63  }
.Ltmp7:
0xf6: {  	s0 =	sshrl.u32 @!p0 s0, $0x3;
	(pc) =	sbr.rel .LBB2_8-.Ltmp7, $4  }
0xf7: {  	s0 =	sadd.s32 @!p0 s4, s0;
	s8 =	sadd.s32 $0x3B8, s8;
	s20 =	sadd.s32 $0x70, s17  }
0xf8: {  	[hbm4b:s20+s3] =	stream.linear.scatter [tilespmem:s8], [sflag:s15], $0x80, $0x38;
	[tilespmem:$0x1D180] =	vst v63  }
0xf9: {  	s9 =	simm.s32 @!p0 $0x0;
	s8 =	sshll.u32 @!p0 s1, $0x7;
	s1 =	sadd.s32 @!p0 $0x1, s1  }
0xfa: {  	[tilespmem:s8], [sflag:s1] =	stream.linear.gather @!p0 [hbm4b:s0+s9], $0x80, $0x38;
	[tilespmem:$0x1D180] =	vst v63  }
.LBB2_10:
0xfb: {  	_ =	sfence.sel $0x180000  }
0xfc: {  	[bflag:$0x0] =	sbarrier.arrive $0xFFFF  }
0xfd: {  	_ =	strace $0x9000004A  }
0xfe: {  	s0 =	stileid.u32;
	[bflag:$0x2] =	sbarrier.arrive $0xFFFF  }
0xff: {  	p0 =	sne.s32 s0, $0x0;
	s0 =	rddreg [dreg:$0x2]  }
0x100: {  	s0 =	sadd.s32 @!p0 $0x100000, s0  }
0x101: {  	[sflag:s0] =	ssyncadd.tile.s32 @!p0 $0x1;
	_ =	shalt  }
.Lfunc_end2:
_tile_overlayer_lowered:
.L_overlay_start_2:
0x102: {  	(tag) =	ssettag $0x2  }
0x103: {  	s0 =	rddreg [dreg:$0x0];
	s2 =	stileid.u32  }
0x104: {  	s1 =	rddreg [dreg:$0x1];
	p0 =	sne.s32 s2, $0x0  }
0x105: {  	s3 =	rddreg [dreg:$0x2];
	[bflag:$0x3] =	sbarrier.arrive $0xFFFF;
	s2 =	simm.s32 @!p0 $0x1C16  }
0x106: {  	[timem:s3], [sflag:s2] =	dma.local @!p0 [hbm:s0], s1  }
0x107: {  	s0 =	simm.s32 @!p0 $0x16  }
0x108: {  	_ =	swait.ge @!p0 [sflag:s0], s1  }
0x109: {  	s1 =	ssub.s32 @!p0 $0x0, s1;
	[sflag:s0] =	ssyncset.done @!p0 $0x0  }
0x10a: {  	[sflag:s0] =	ssyncadd.s32 @!p0 s1  }
0x10b: {  	[bflag:$0x3] =	sbarrier.arrive $0xFFFF  }
0x10c: {  	_ =	shalt  }

// kernel: sparse-core-data-format-call.cloned.1.call-start
scs
called_computation_lowered:
.L_overlay_start_0:
0x0: {  	s2 =	sld [smem:$0x3FD9]  }
0x1: {  	s3 =	sld [smem:$0x3FFE];
	_ =	sdelay $0x1  }
0x2: {  	s1 =	srdreg.scid  }
0x3: {  	s0 =	sand.u32 $0x1, s1  }
0x4: {  	s18 =	sshll.u32 s0, $0xA;
	s2 =	sadd.s32 s3, s2  }
0x5: {  	s2 =	sadd.s32 s2, s18  }
0x6: {  	[smem:$0x3FC6] =	sst s2  }
0x7: {  	_ = 	snop  }
0x8: {  	s2 =	sld [smem:$0x3FC8];
	(tm) =	ssettm $0x1  }
0x9: {  	s19 =	sld [smem:$0x3FFB];
	_ =	sdelay $0x3  }
0xa: {  	_ =	strace s19  }
0xb: {  	s3 =	sld [smem:$0x3FFC];
	_ =	sdelay $0x3  }
0xc: {  	_ =	strace s3  }
0xd: {  	s3 =	sld [smem:$0x3FFD];
	_ =	sdelay $0x3  }
0xe: {  	_ =	strace s3  }
0xf: {  	_ =	strace $0x8FFFFFFF  }
0x10: {  	s20 =	sld [smem:$0x3FDB];
	_ =	sdelay $0x1  }
0x11: {  	s4 =	simm.s32 $_scs_section_size  }
0x12: {  	s5 =	simm.s32 $_size__tile_overlayer_lowered;
	s6 =	simm.s32 $_tile_overlayer_lowered  }
0x13: {  	s23 =	simm.s32 $0x1BFF;
	s22 =	sshll.u32 s6, $0x1;
	s3 =	sadd.s32 s4, s20  }
0x14: {  	s7 =	simm.s32 $0x0;
	s21 =	sshll.u32 s5, $0x1;
	s5 =	sadd.s32 s22, s3  }
0x15: {  	[timem:s7], [sflag:s23] =	dma.local [hbm:s5], s21  }
0x16: {  	_ =	swait.ge [sflag:s23], s21  }
0x17: {  	s4 =	ssub.s32 $0x0, s21;
	[sflag:s23] =	ssyncset.done $0x0  }
0x18: {  	[sflag:s23] =	ssyncadd.s32 s4;
	_ =	sdelay $0x1  }
0x19: {  	s24 =	simm.s32 $0x1B8B  }
0x1a: {  	_ =	swait.ge [sflag:s24], $0x1  }
0x1b: {  	[sflag:s24] =	ssyncset.done $0x0  }
0x1c: {  	s26 =	simm.s32 $0x1B8E;
	s25 =	sld [smem:$0x3FFE];
	[sflag:s24] =	ssyncadd.s32 $0xFFFFFFFF  }
0x1d: {  	s27 =	simm.s32 $execute0_lowered;
	[smem:$0x3FD2] =	sst s26  }
0x1e: {  	s5 =	sshll.u32 s27, $0x1;
	_ =	strace $0x80000046;
	[dreg:$0x1] =	wrdreg $0xFFFFFFFF  }
0x1f: {  	s28 =	simm.s32 $_size_execute0_lowered;
	s3 =	sadd.s32 s3, s5;
	[dreg:$0x0] =	wrdreg $0x0  }
0x20: {  	s5 =	sshll.u32 s28, $0x1;
	[dreg:$0x2] =	wrdreg s3  }
0x21: {  	[dreg:$0x3] =	wrdreg s5  }
0x22: {  	[dreg:$0x4] =	wrdreg $0xC0  }
0x23: {  	_ =	task [dreg:s7], $0x5FFFF  }
0x24: {  	[dreg:$0x1] =	wrdreg $0xFFFFFFFF  }
0x25: {  	[dreg:$0x0] =	wrdreg $0x60  }
0x26: {  	[dreg:$0x2] =	wrdreg s2  }
0x27: {  	[dreg:$0x3] =	wrdreg s25  }
0x28: {  	[dreg:$0x4] =	wrdreg $0x9  }
0x29: {  	_ =	task.clear_ibuf [dreg:s7], $0x5FFFF;
	_ =	strace $0x90000046  }
0x2a: {  	s29 =	simm.s32 $0x9;
	_ =	strace $0x80000048  }
0x2b: {  	_ =	swait.ge [sflag:s29], $0x1  }
0x2c: {  	[sflag:s29] =	ssyncadd.s32 $0xFFFFFFFF  }
0x2d: {  	_ =	strace $0x90000048  }
0x2e: {  	_ =	sfence  }
0x2f: {  	s30 =	sld [smem:$0x0];
	_ =	sdelay $0x2  }
0x30: {  	s31 =	sshll.u32 s1, $0xD;
	s1 =	sshrl.u32 s1, $0x2  }
0x31: {  	s3 =	sand.u32 $0x4000, s31;
	s1 =	sadd.s32 s1, s30  }
0x32: {  	s0 =	sor.u32 s3, s0;
	s1 =	sshll.u32 s1, $0x11  }
0x33: {  	s0 =	sor.u32 s1, s0  }
0x34: {  	s0 =	sadd.s32 $0x8F2B, s0  }
0x35: {  	[sflag:s0] =	ssyncadd.remote.s32 $0x1  }
0x36: {  	_ =	sfence.sel $0xFFFF  }
0x37: {  	[dreg:$0x0] =	wrdreg $0xFFFFFFFF;
	(pc) =	sbr.abs _section_cstart, $3  }
0x38: {  	[dreg:$0x1] =	wrdreg $0xFFFFFFFF  }
0x39: {  	_ =	task.clear_ibuf [dreg:s7], $0x2FFFF;
	_ =	strace $0x9FFFFFFF  }
0x3a: {  	(tm) =	ssettm $0x7FFFFFFF  }
0x3b: {  	_ =	shalt  }
tec
execute0_lowered:
.L_overlay_start_1:
0x0: {  	(tag) =	ssettag $0x1  }
0x1: {  	s0 =	srdreg.scid;
	s2 =	rddreg [dreg:$0x0]  }
0x2: {  	s5 =	rddreg [dreg:$0x1];
	s1 =	stileid.u32  }
0x3: {  	s4 =	simm.s32 $0x1;
	s6 =	simm.s32 $0x2;
	s15 =	simm.s32 $0x0  }
0x4: {  	p0 =	por $0x0, $0x0;
	s8 =	simm.s32 $0x80;
	s0 =	sshll.u32 s0, $0x4  }
0x5: {  	s14 =	simm.s32 $0x0;
	s9 =	simm.s32 $0x0;
	s3 =	sand.u32 $0x10, s0  }
.Ltmp0:
0x6: {  	s10 =	simm.s32 $0x0;
	s3 =	sor.u32 s1, s3;
	(pc) =	sbr.rel .LBB1_1-.Ltmp0, $4  }
0x7: {  	s0 =	rddreg [dreg:$0x2];
	_ =	strace $0x80000047;
	s3 =	sshll.u32 s3, $0x7  }
0x8: {  	s12 =	simm.s32 $0x0;
	[sflag:s4] =	ssyncpa.u1 $0x0;
	s7 =	ssub.s32 $0xF4200, s3  }
0x9: {  	s13 =	simm.s32 $0x0;
	[sflag:s6] =	ssyncpa.u1 $0x0;
	s6 =	sshrl.u32 s7, $0xC  }
0xa: {  	s5 =	sadd.s32 $0xA00, s5;
	s11 =	smov.u32 s3;
	s7 =	sadd.s32 $0x2, s6  }
.LBB1_5:
0xb: {  	p1 =	slt.u32 s13, $0x2  }
0xc: {  	s17 =	smov.u32 s15;
	p2 =	sgt.s32 @!p1 s15, $0xF41C0;
	s16 =	sshra.s32 @!p1 s15, $0x1F  }
0xd: {  	p3 =	sgt.s32 @!p1 s14, $0x40;
	s18 =	sshra.s32 @!p1 s14, $0x1F;
	p2 =	por !p2, p1  }
0xe: {  	s15 =	sand.u32 @!p1 s16, s15;
	p3 =	por !p3, p1;
	s16 =	smov.u32 s14  }
0xf: {  	s14 =	sand.u32 @!p1 s18, s14;
	s17 =	simm.s32 @p2 $0xF41C0;
	s16 =	simm.s32 @p3 $0x40  }
0x10: {  	s15 =	ssub.s32 @!p1 s17, s15;
	s14 =	ssub.s32 @!p1 s16, s14  }
0x11: {  	s18 =	smov.u32 s12;
	s16 =	sadd.s32 @!p1 $0xFFF0BE40, s15;
	s17 =	sadd.s32 @!p1 $0xFFFFFFC0, s14  }
0x12: {  	s15 =	ssub.s32 @!p1 $0xF4240, s15;
	p2 =	sgt.s32 @!p1 s16, $0x7F;
	p3 =	sgt.s32 @!p1 s17, $0x3F  }
0x13: {  	s14 =	ssub.s32 @!p1 $0x80, s14;
	p2 =	por !p2, p1;
	p3 =	por !p3, p1  }
0x14: {  	s16 =	sadd.s32 $0x1000, s11;
	s15 =	simm.s32 @!p2 $0x0;
	s14 =	simm.s32 @!p3 $0x0  }
0x15: {  	p2 =	sgt.s32 s16, $0xF423F;
	s14 =	smul.u32 @!p1 s14, s15;
	s15 =	sadd.s32 $0x40, s12  }
0x16: {  	s18 =	smov.u32 @p2 s15  }
0x17: {  	s16 =	smov.u32 @p2 s3;
	p2 =	sgt.s32 s18, $0x3F  }
0x18: {  	s18 =	simm.s32 @p2 $0x0;
	p2 =	sne.s32 s13, s7  }
.Ltmp1:
0x19: {  	p0 =	por !p0, !p0;
	s17 =	simm.s32 @!p1 $0x2;
	(pc) =	sbr.rel @!p2 .LBB1_6-.Ltmp1, $4  }
0x1a: {  	s15 =	smov.u32 s9;
	s9 =	smov.u32 s11;
	s14 =	sand.u32 @!p1 $0x3FFFFFFF, s14  }
0x1b: {  	s11 =	smov.u32 s16;
	_ =	swait.ge @!p1 [sflag:s17], s14;
	s19 =	ssub.s32 @!p1 $0x0, s14  }
0x1c: {  	s14 =	smov.u32 s10;
	s13 =	sadd.s32 $0x1, s13;
	[sflag:s17] =	ssyncset.done @!p1 $0x0  }
0x1d: {  	s10 =	smov.u32 s12;
	s12 =	smov.u32 s18;
	[sflag:s17] =	ssyncadd.s32 @!p1 s19  }
.LBB1_1:
0x1e: {  	p1 =	sgt.u32 s13, s6  }
0x1f: {  	s16 =	sshrl.u32 @!p1 s12, $0x3  }
0x20: {  	s17 =	sshll.u32 @!p1 s11, $0x3;
	s16 =	smul.u32 @!p1 $0x7A1400, s16  }
0x21: {  	s18 =	sshll.u32 @!p1 s12, $0x7;
	s17 =	sand.u32 @!p1 $0xFFFFFC00, s17  }
0x22: {  	s16 =	sadd.s32 @!p1 s16, s17;
	s17 =	sand.u32 @!p1 $0x380, s18  }
0x23: {  	s18 =	sand.u32 @!p1 $0x7F, s11;
	s16 =	sor.u32 @!p1 s17, s16  }
0x24: {  	s17 =	sor.u32 @!p1 s18, s16  }
0x25: {  	s18 =	smulhi.u32 @!p1 $0x218D6287, s17;
	_ =	sdelay $0x1  }
0x26: {  	s16 =	smulhi.u32 @!p1 $0x218D6287, s16;
	s18 =	sshrl.u32 @!p1 s18, $0x11  }
0x27: {  	s18 =	smul.u32 @!p1 $0xF4280, s18  }
0x28: {  	s19 =	sxor.u32 @!p1 $0xFFFFFFFF, s13;
	s16 =	sshrl.u32 @!p1 s16, $0x11  }
0x29: {  	s19 =	sshll.u32 @!p1 s19, $0xD;
	s16 =	sand.u32 @!p1 $0x3F, s16;
	s17 =	ssub.s32 @!p1 s17, s18  }
0x2a: {  	s16 =	smul.u32 @!p1 $0x1E850, s16;
	s18 =	sshrl.u32 @!p1 s17, $0x3;
	s17 =	sand.u32 @!p1 $0x7, s17  }
0x2b: {  	s19 =	sand.u32 @!p1 $0x2000, s19;
	s18 =	sadd.s32 @!p1 s2, s18;
	s17 =	sshll.u32 @!p1 s17, $0x12  }
0x2c: {  	s16 =	sadd.s32 @!p1 s16, s18;
	s17 =	sor.u32 @!p1 $0x400, s17;
	s18 =	simm.s32 @!p1 $0x7A1400  }
0x2d: {  	[tilespmem:s19], [sflag:$0x1] =	stream.strided.gather @!p1 [hbm4b:s16+s17], $0x2000, s18, s17, $0x38;
	[tilespmem:$0x8100] =	vst v63  }
0x2e: {  	p1 =	seq.s32 s13, $0x0  }
0x2f: {  	p2 =	sge.u32 @!p1 s13, s7  }
0x30: {  	p1 =	por p1, p2  }
.Ltmp2:
0x31: {  	_ = 	snop;
	(pc) =	sbr.rel @p1 .LBB1_5-.Ltmp2, $1  }
0x32: {  	_ =	sdelay $0x3  }
0x33: {  	s16 =	simm.s32 $0x1  }
0x34: {  	_ =	swait.ge [sflag:s4], $0x2000;
	s16 =	simm.s32 @!p0 $0x0  }
0x35: {  	[sflag:s4] =	ssyncset.done $0x0;
	s17 =	sshll.u32 s16, $0xD  }
0x36: {  	[sflag:s4] =	ssyncadd.s32 $0xFFFFE000;
	s17 =	sor.u32 $0x40, s17  }
0x37: {  	s16 =	smul.u32 $0x8200, s16;
	v0 =	vld [tilespmem:s17+$0x30]  }
0x38: {  	v1 =	vld [tilespmem:s17+$0xFFFFFFD0]  }
0x39: {  	s16 =	sshrl.u32 s16, $0x2;
	v5 =	vld [tilespmem:s17+$0xFFFFFFE0]  }
0x3a: {  	v6 =	vld [tilespmem:s17+$0xFFFFFFF0];
	s19 =	sor.u32 $0x4000, s16  }
0x3b: {  	s31 =	sand.u32 $0x1, s13;
	v4 =	vld [tilespmem:s17+$0x0];
	s18 =	sadd.s32 $0x0, s19  }
0x3c: {  	v3 =	vld [tilespmem:s17+$0x10];
	s16 =	smul.u32 $0x8200, s31;
	[tilespmem:s18+$0x1C70 ss:$0x41] =	vst.msk $0xffff, v0  }
0x3d: {  	v2 =	vld [tilespmem:s17+$0x20];
	[tilespmem:s18+$0x410 ss:$0x41] =	vst.msk $0xffff, v1  }
0x3e: {  	s16 =	sshrl.u32 s16, $0x2;
	v1 =	vld [tilespmem:s17+$0xFFFFFFC0];
	[tilespmem:s18+$0x820 ss:$0x41] =	vst.msk $0xffff, v5;
	s17 =	sadd.s32 $0x80, s17  }
0x3f: {  	s20 =	simm.s32 $0x4;
	s21 =	simm.s32 $0x8;
	s16 =	sor.u32 $0x4000, s16;
	[tilespmem:s18+$0xC30 ss:$0x41] =	vst.msk $0xffff, v6;
	v0 =	vld [tilespmem:s17+$0x30]  }
.LBB1_3:
0x40: {  	p1 =	sne.s32 s21, $0xFC;
	v5 =	vld [tilespmem:s17+$0xFFFFFFD0];
	[tilespmem:s18+$0x1040 ss:$0x41] =	vst.msk $0xffff, v4  }
0x41: {  	v6 =	vld [tilespmem:s17+$0xFFFFFFE0];
	[tilespmem:s18+$0x1450 ss:$0x41] =	vst.msk $0xffff, v3  }
0x42: {  	s22 =	sshra.s32 s20, $0x2;
	s20 =	smov.u32 s21;
	v7 =	vld [tilespmem:s17+$0xFFFFFFF0];
	[tilespmem:s18+$0x1860 ss:$0x41] =	vst.msk $0xffff, v2  }
.Ltmp3:
0x43: {  	v4 =	vld [tilespmem:s17+$0x0];
	[tilespmem:s18+$0x0 ss:$0x41] =	vst.msk $0xffff, v1;
	s18 =	sadd.s32 s22, s19;
	(pc) =	sbr.rel @p1 .LBB1_3-.Ltmp3, $4  }
0x44: {  	v3 =	vld [tilespmem:s17+$0x10];
	[tilespmem:s18+$0x1C70 ss:$0x41] =	vst.msk $0xffff, v0  }
0x45: {  	[tilespmem:s18+$0x410 ss:$0x41] =	vst.msk $0xffff, v5;
	v2 =	vld [tilespmem:s17+$0x20]  }
0x46: {  	v1 =	vld [tilespmem:s17+$0xFFFFFFC0];
	[tilespmem:s18+$0x820 ss:$0x41] =	vst.msk $0xffff, v6;
	s17 =	sadd.s32 $0x80, s17  }
0x47: {  	s21 =	sadd.s32 $0x4, s21;
	v0 =	vld [tilespmem:s17+$0x30];
	[tilespmem:s18+$0xC30 ss:$0x41] =	vst.msk $0xffff, v7  }
0x48: {  	s21 =	sshll.u32 s9, $0x7;
	s22 =	sshll.u32 s10, $0x3;
	s20 =	sshra.s32 s20, $0x2  }
0x49: {  	p1 =	sgt.s32 s9, $0xF41C0;
	s30 =	sshra.s32 s9, $0x1F;
	s25 =	sshra.s32 s10, $0x1F  }
0x4a: {  	v5 =	vld [tilespmem:s17+$0xFFFFFFD0];
	s28 =	sshrl.u32 s10, $0x3;
	s23 =	sand.u32 $0xFFFFFC00, s21;
	s22 =	sand.u32 $0xFFFFFC00, s22  }
0x4b: {  	[tilespmem:s18+$0x1040 ss:$0x41] =	vst.msk $0xffff, v4;
	v58 =	vld [tilespmem:s17+$0xFFFFFFE0];
	s21 =	sand.u32 $0x380, s21;
	s19 =	sadd.s32 s20, s19;
	s22 =	sadd.s32 s22, s23  }
0x4c: {  	v59 =	vld [tilespmem:s17+$0xFFFFFFF0];
	[tilespmem:s18+$0x1450 ss:$0x41] =	vst.msk $0xffff, v3;
	s29 =	sor.u32 s21, s22;
	s21 =	smov.u32 s9;
	s22 =	sand.u32 s30, s9  }
0x4d: {  	v60 =	vld [tilespmem:s17+$0x0];
	[tilespmem:s18+$0x1860 ss:$0x41] =	vst.msk $0xffff, v2;
	s30 =	sand.u32 $0x7, s10;
	s20 =	sshrl.u32 s29, $0x7;
	s21 =	simm.s32 @!p1 $0xF41C0  }
0x4e: {  	v61 =	vld [tilespmem:s17+$0x10];
	[tilespmem:s18+$0x0 ss:$0x41] =	vst.msk $0xffff, v1;
	p1 =	sgt.s32 s10, $0x40;
	s24 =	ssub.s32 s21, s22;
	s21 =	smov.u32 s10  }
0x4f: {  	v62 =	vld [tilespmem:s17+$0x20];
	[tilespmem:s19+$0x1C70 ss:$0x41] =	vst.msk $0xffff, v0;
	s31 =	smulhi.u32 $0x218DEF5, s20;
	s22 =	sand.u32 s25, s10;
	s21 =	simm.s32 @!p1 $0x40  }
0x50: {  	v63 =	vld [tilespmem:s17+$0xFFFFFFC0];
	[tilespmem:s19+$0x410 ss:$0x41] =	vst.msk $0xffff, v5;
	s26 =	sadd.s32 $0xFFF0BE40, s24;
	s17 =	ssub.s32 $0xF4240, s24;
	s21 =	ssub.s32 s21, s22  }
0x51: {  	[tilespmem:s19+$0x820 ss:$0x41] =	vst.msk $0xffff, v58;
	s23 =	sshrl.u32 s31, $0xD;
	p1 =	sgt.s32 s26, $0x7F;
	s27 =	sadd.s32 $0xFFFFFFC0, s21  }
0x52: {  	[tilespmem:s19+$0xC30 ss:$0x41] =	vst.msk $0xffff, v59;
	s23 =	smul.u32 $0xF4240, s23;
	s18 =	ssub.s32 $0x80, s21;
	p2 =	sgt.s32 s27, $0x3F  }
.Ltmp4:
0x53: {  	[tilespmem:s19+$0x1040 ss:$0x41] =	vst.msk $0xffff, v60;
	s17 =	simm.s32 @p1 $0x0;
	s18 =	simm.s32 @p2 $0x0;
	(pc) =	sbr.rel .LBB1_5-.Ltmp4, $4  }
0x54: {  	s29 =	sand.u32 $0xF, s28;
	[tilespmem:s19+$0x1450 ss:$0x41] =	vst.msk $0xffff, v61;
	s20 =	ssub.s32 s20, s23;
	s17 =	smul.u32 s18, s17  }
0x55: {  	[tilespmem:s19+$0x1860 ss:$0x41] =	vst.msk $0xffff, v62;
	s21 =	sshll.u32 s30, $0x12;
	s20 =	sshll.u32 s20, $0x4;
	s18 =	sadd.s32 s5, s29  }
0x56: {  	[tilespmem:s19+$0x0 ss:$0x41] =	vst.msk $0xffff, v63;
	s31 =	sor.u32 $0x40, s21;
	s18 =	sadd.s32 s20, s18;
	s17 =	sand.u32 $0x3FFFFFFF, s17  }
0x57: {  	[hbm4b:s18+s31] =	stream.strided.scatter [tilespmem:s16], [sflag:$0x2], s17, s8, s31, $0x18;
	[tilespmem:$0x8100] =	vst v63  }
.LBB1_6:
0x58: {  	_ =	sfence.sel $0x180000  }
0x59: {  	s2 =	simm.s32 $0x1;
	[bflag:$0x0] =	sbarrier.arrive $0xFFFF  }
0x5a: {  	s31 =	simm.s32 $0x2;
	[sflag:s2] =	ssyncpa.u1 $0x1  }
0x5b: {  	[sflag:s31] =	ssyncpa.u1 $0x1  }
0x5c: {  	p0 =	sne.s32 s1, $0x0;
	_ =	strace $0x90000047  }
0x5d: {  	s0 =	sadd.s32 @!p0 $0x100000, s0;
	[bflag:$0x2] =	sbarrier.arrive $0xFFFF  }
0x5e: {  	[sflag:s0] =	ssyncadd.tile.s32 @!p0 $0x1;
	_ =	shalt  }
.Lfunc_end1:
_tile_overlayer_lowered:
.L_overlay_start_2:
0x5f: {  	(tag) =	ssettag $0x2  }
0x60: {  	s0 =	rddreg [dreg:$0x0];
	s2 =	stileid.u32  }
0x61: {  	s1 =	rddreg [dreg:$0x1];
	p0 =	sne.s32 s2, $0x0  }
0x62: {  	s3 =	rddreg [dreg:$0x2];
	[bflag:$0x3] =	sbarrier.arrive $0xFFFF;
	s2 =	simm.s32 @!p0 $0x1C01  }
0x63: {  	[timem:s3], [sflag:s2] =	dma.local @!p0 [hbm:s0], s1  }
0x64: {  	s0 =	simm.s32 @!p0 $0x1  }
0x65: {  	_ =	swait.ge @!p0 [sflag:s0], s1  }
0x66: {  	s1 =	ssub.s32 @!p0 $0x0, s1;
	[sflag:s0] =	ssyncset.done @!p0 $0x0  }
0x67: {  	[sflag:s0] =	ssyncadd.s32 @!p0 s1  }
0x68: {  	[bflag:$0x3] =	sbarrier.arrive $0xFFFF  }
0x69: {  	_ =	shalt  }

</sc_bundles>
